<compile_context>
chip_gen: v7x
topology: tpu7x:2x2x1
jax: 0.10.2.dev20260603
libtpu: 0.0.44.dev20260713+nightly
codegen_flags: <defaults>
</compile_context>

<pallas_src>
import functools

import jax
import jax.numpy as jnp
from jax import lax
from jax.experimental import pallas as pl
from jax.experimental.pallas import tpu as pltpu
from jax.experimental.pallas import tpu_sc as plsc

CH = 40


def _make_aggregate(N, E, D, Np):
    Dh = D // 2
    n_sub = 16
    epw = E // n_sub
    nch = epw // CH
    rpt = Np // n_sub
    NB = 8
    P = NB // 2
    assert NB == 2 * P
    assert epw % CH == 0 and Np % (8 * n_sub) == 0 and nch >= 2 * NB
    n_main = (nch - 2 * P) // NB

    mesh = plsc.VectorSubcoreMesh(core_axis_name="c", subcore_axis_name="s")

    @functools.partial(
        pl.kernel,
        out_type=jax.ShapeDtypeStruct((Np, D), jnp.float32),
        mesh=mesh,
        scratch_types=[
            [pltpu.VMEM((CH,), jnp.int32)] * NB,
            [pltpu.VMEM((CH, Dh), jnp.float32)] * NB,
            pltpu.VMEM_SHARED((Np, Dh), jnp.float32),
            [pltpu.SemaphoreType.DMA] * NB,
            [pltpu.SemaphoreType.DMA] * NB,
            [pltpu.SemaphoreType.DMA] * NB,
        ],
    )
    def agg(ea_hbm, ei_hbm, zeros_hbm, out_hbm, db, rb, acc, dsem, gsem, ssem):
        c = lax.axis_index("c")
        s = lax.axis_index("s")
        e_base = s * epw
        col = c * Dh

        pltpu.sync_copy(zeros_hbm, acc.at[pl.ds(s * rpt, rpt), :])
        plsc.subcore_barrier()

        def dst_src(k):
            return ei_hbm.at[pl.ds(E + e_base + k * CH, CH)]

        def rows_src(k):
            return ea_hbm.at[pl.ds(e_base + k * CH, CH), pl.ds(col, Dh)]

        def issue_loads(k, kb):
            pltpu.async_copy(dst_src(k), db[kb], dsem[kb])
            pltpu.async_copy(rows_src(k), rb[kb], gsem[kb])

        def step(k, kb, swait=True, prefetch=True):
            pltpu.make_async_copy(dst_src(k), db[kb], dsem[kb]).wait()
            pltpu.make_async_copy(rows_src(k), rb[kb], gsem[kb]).wait()
            if swait:
                kb2 = (kb - P) % NB
                pltpu.make_async_copy(rb[kb2], acc.at[db[kb2]], ssem[kb2]).wait()
            pltpu.async_copy(rb[kb], acc.at[db[kb]], ssem[kb], add=True)
            if prefetch:
                issue_loads(k + P, (kb + P) % NB)

        for k in range(P):
            issue_loads(k, k)
        for k in range(P):
            step(k, k, swait=False)

        def body(j, carry):
            for i in range(NB):
                step(NB * j + P + i, (P + i) % NB)
            return carry

        lax.fori_loop(0, n_main, body, 0)
        for k in range(NB * n_main + P, nch):
            step(k, k % NB, prefetch=(k + P < nch))
        for k in range(nch - (NB - P), nch):
            pltpu.make_async_copy(rb[k % NB], acc.at[db[k % NB]], ssem[k % NB]).wait()
        plsc.subcore_barrier()

        pltpu.sync_copy(
            acc.at[pl.ds(s * rpt, rpt), :],
            out_hbm.at[pl.ds(s * rpt, rpt), pl.ds(col, Dh)],
        )

    return agg


def _dot3(x, wh, wl):
    xh = x.astype(jnp.bfloat16)
    xl = (x - xh.astype(jnp.float32)).astype(jnp.bfloat16)
    acc = jnp.dot(xh, wl, preferred_element_type=jnp.float32)
    acc = acc + jnp.dot(xl, wh, preferred_element_type=jnp.float32)
    acc = acc + jnp.dot(xh, wh, preferred_element_type=jnp.float32)
    return acc


def _mlp1_body(nf, w1ah, w1al, b1, out):
    out[...] = _dot3(nf[...], w1ah[...], w1al[...]) + b1[...]


def _mlp2_body(hp, ag, nf, w1bh, w1bl, w2h, w2l, g, b, b2, out):
    h = hp[...] + _dot3(ag[...], w1bh[...], w1bl[...])
    mu = jnp.mean(h, axis=-1, keepdims=True)
    var = jnp.mean((h - mu) ** 2, axis=-1, keepdims=True)
    hn = (h - mu) * lax.rsqrt(var + 1e-5) * g[...] + b[...]
    hs = hn * jax.nn.sigmoid(hn)
    out[...] = nf[...] + _dot3(hs, w2h[...], w2l[...]) + b2[...]


def kernel(node_feat, edge_attr, edge_index, num_nodes, W1, b1, ln_g, ln_b, W2, b2):
    N, D = node_feat.shape
    E = edge_attr.shape[0]
    IN, H = W1.shape
    Dh = D // 2

    Np = ((N + 127) // 128) * 128
    ei_flat = edge_index.reshape(2 * E)
    zeros = jnp.zeros((Np // 16, Dh), jnp.float32)
    aggp = _make_aggregate(N, E, D, Np)(edge_attr, ei_flat, zeros)

    W1h = W1.astype(jnp.bfloat16)
    W1l = (W1 - W1h.astype(jnp.float32)).astype(jnp.bfloat16)
    W2h = W2.astype(jnp.bfloat16)
    W2l = (W2 - W2h.astype(jnp.float32)).astype(jnp.bfloat16)

    R = 2000
    grid = (N // R,)
    hpart = pl.pallas_call(
        _mlp1_body,
        grid=grid,
        in_specs=[
            pl.BlockSpec((R, D), lambda i: (i, 0)),
            pl.BlockSpec((D, H), lambda i: (0, 0)),
            pl.BlockSpec((D, H), lambda i: (0, 0)),
            pl.BlockSpec((1, H), lambda i: (0, 0)),
        ],
        out_specs=pl.BlockSpec((R, H), lambda i: (i, 0)),
        out_shape=jax.ShapeDtypeStruct((N, H), jnp.float32),
    )(node_feat, W1h[:D], W1l[:D], b1.reshape(1, H))

    out = pl.pallas_call(
        _mlp2_body,
        grid=grid,
        in_specs=[
            pl.BlockSpec((R, H), lambda i: (i, 0)),
            pl.BlockSpec((R, D), lambda i: (i, 0)),
            pl.BlockSpec((R, D), lambda i: (i, 0)),
            pl.BlockSpec((D, H), lambda i: (0, 0)),
            pl.BlockSpec((D, H), lambda i: (0, 0)),
            pl.BlockSpec((H, D), lambda i: (0, 0)),
            pl.BlockSpec((H, D), lambda i: (0, 0)),
            pl.BlockSpec((1, H), lambda i: (0, 0)),
            pl.BlockSpec((1, H), lambda i: (0, 0)),
            pl.BlockSpec((1, D), lambda i: (0, 0)),
        ],
        out_specs=pl.BlockSpec((R, D), lambda i: (i, 0)),
        out_shape=jax.ShapeDtypeStruct((N, D), jnp.float32),
    )(hpart, aggp, node_feat, W1h[D:], W1l[D:], W2h, W2l,
      ln_g.reshape(1, H), ln_b.reshape(1, H), b2.reshape(1, D))
    return out

# --- scband reference (transcript-rebuilt; emitter-appended) ---
"""Pipeline reference for scband-graph-cast-node-block-21801253994714 (READ-ONLY COPY).

The authoritative reference and input builder live on the scoring server;
editing this copy changes nothing except your own understanding.
"""

import jax, jax.numpy as jnp
import numpy as np

N = 10000
E = 160000
D = 256   # node_dim = edge_dim
H = 512   # hidden_dim
IN = D + D  # node_dim + edge_dim = 512


def setup_inputs(seed: int = 0) -> dict:
    key = jax.random.key(seed)
    ks = jax.random.split(key, 9)
    node_feat = jax.random.normal(ks[0], (N, D), dtype=jnp.float32)
    edge_attr = jax.random.normal(ks[1], (E, D), dtype=jnp.float32)
    edge_index = jax.random.randint(ks[2], (2, E), 0, N, dtype=jnp.int32)
    # MLP params: Linear(IN->H), LayerNorm(H), SiLU, Linear(H->D)
    W1 = jax.random.normal(ks[3], (IN, H), dtype=jnp.float32) * (1.0 / np.sqrt(IN))
    b1 = jnp.zeros((H,), dtype=jnp.float32)
    ln_g = jnp.ones((H,), dtype=jnp.float32)
    ln_b = jnp.zeros((H,), dtype=jnp.float32)
    W2 = jax.random.normal(ks[4], (H, D), dtype=jnp.float32) * (1.0 / np.sqrt(H))
    b2 = jnp.zeros((D,), dtype=jnp.float32)
    return {
        "node_feat": node_feat,
        "edge_attr": edge_attr,
        "edge_index": edge_index,
        "num_nodes": N,
        "W1": W1, "b1": b1, "ln_g": ln_g, "ln_b": ln_b, "W2": W2, "b2": b2,
    }


def _layer_norm(x, g, b, eps=1e-5):
    mu = jnp.mean(x, axis=-1, keepdims=True)
    var = jnp.mean((x - mu) ** 2, axis=-1, keepdims=True)
    return (x - mu) / jnp.sqrt(var + eps) * g + b


def reference(node_feat, edge_attr, edge_index, num_nodes, W1, b1, ln_g, ln_b, W2, b2):
    num_nodes = jnp.asarray(num_nodes, dtype=jnp.int32)
    dst_idx = edge_index[1] + (num_nodes - num_nodes)
    # aggregation == 'sum': scatter-add edge messages into dst nodes
    aggregated = jax.ops.segment_sum(edge_attr, dst_idx, num_segments=node_feat.shape[0])
    node_input = jnp.concatenate([node_feat, aggregated], axis=-1)
    h = node_input @ W1 + b1
    h = _layer_norm(h, ln_g, ln_b)
    h = jax.nn.silu(h)
    out = h @ W2 + b2
    return node_feat + out

if __name__ == "__main__":
    import jax
    _d = setup_inputs()
    print(jax.jit(kernel)(*tuple(_d.values())))

</pallas_src>

<mosaic_0001>
#map = affine_map<(d0, d1) -> (0, 0)>
#map1 = affine_map<(d0, d1) -> (0)>
module attributes {stable_mosaic.version = 14 : i64} {
  func.func @agg(%arg0: i32, %arg1: i32, %arg2: memref<160000x256xf32, #tpu.memory_space<hbm>>, %arg3: memref<320000xi32, #tpu.memory_space<hbm>>, %arg4: memref<632x128xf32, #tpu.memory_space<hbm>>, %arg5: memref<10112x256xf32, #tpu.memory_space<hbm>>, %arg6: memref<40xi32, #tpu.memory_space<vmem>>, %arg7: memref<40xi32, #tpu.memory_space<vmem>>, %arg8: memref<40xi32, #tpu.memory_space<vmem>>, %arg9: memref<40xi32, #tpu.memory_space<vmem>>, %arg10: memref<40xi32, #tpu.memory_space<vmem>>, %arg11: memref<40xi32, #tpu.memory_space<vmem>>, %arg12: memref<40xi32, #tpu.memory_space<vmem>>, %arg13: memref<40xi32, #tpu.memory_space<vmem>>, %arg14: memref<40x128xf32, #tpu.memory_space<vmem>>, %arg15: memref<40x128xf32, #tpu.memory_space<vmem>>, %arg16: memref<40x128xf32, #tpu.memory_space<vmem>>, %arg17: memref<40x128xf32, #tpu.memory_space<vmem>>, %arg18: memref<40x128xf32, #tpu.memory_space<vmem>>, %arg19: memref<40x128xf32, #tpu.memory_space<vmem>>, %arg20: memref<40x128xf32, #tpu.memory_space<vmem>>, %arg21: memref<40x128xf32, #tpu.memory_space<vmem>>, %arg22: memref<10112x128xf32, #tpu.memory_space<vmem_shared>>, %arg23: memref<!tpu.dma_semaphore, #tpu.memory_space<semaphore_mem>>, %arg24: memref<!tpu.dma_semaphore, #tpu.memory_space<semaphore_mem>>, %arg25: memref<!tpu.dma_semaphore, #tpu.memory_space<semaphore_mem>>, %arg26: memref<!tpu.dma_semaphore, #tpu.memory_space<semaphore_mem>>, %arg27: memref<!tpu.dma_semaphore, #tpu.memory_space<semaphore_mem>>, %arg28: memref<!tpu.dma_semaphore, #tpu.memory_space<semaphore_mem>>, %arg29: memref<!tpu.dma_semaphore, #tpu.memory_space<semaphore_mem>>, %arg30: memref<!tpu.dma_semaphore, #tpu.memory_space<semaphore_mem>>, %arg31: memref<!tpu.dma_semaphore, #tpu.memory_space<semaphore_mem>>, %arg32: memref<!tpu.dma_semaphore, #tpu.memory_space<semaphore_mem>>, %arg33: memref<!tpu.dma_semaphore, #tpu.memory_space<semaphore_mem>>, %arg34: memref<!tpu.dma_semaphore, #tpu.memory_space<semaphore_mem>>, %arg35: memref<!tpu.dma_semaphore, #tpu.memory_space<semaphore_mem>>, %arg36: memref<!tpu.dma_semaphore, #tpu.memory_space<semaphore_mem>>, %arg37: memref<!tpu.dma_semaphore, #tpu.memory_space<semaphore_mem>>, %arg38: memref<!tpu.dma_semaphore, #tpu.memory_space<semaphore_mem>>, %arg39: memref<!tpu.dma_semaphore, #tpu.memory_space<semaphore_mem>>, %arg40: memref<!tpu.dma_semaphore, #tpu.memory_space<semaphore_mem>>, %arg41: memref<!tpu.dma_semaphore, #tpu.memory_space<semaphore_mem>>, %arg42: memref<!tpu.dma_semaphore, #tpu.memory_space<semaphore_mem>>, %arg43: memref<!tpu.dma_semaphore, #tpu.memory_space<semaphore_mem>>, %arg44: memref<!tpu.dma_semaphore, #tpu.memory_space<semaphore_mem>>, %arg45: memref<!tpu.dma_semaphore, #tpu.memory_space<semaphore_mem>>, %arg46: memref<!tpu.dma_semaphore, #tpu.memory_space<semaphore_mem>>) attributes {dimension_semantics = [#tpu.dimension_semantics<core_parallel>, #tpu.dimension_semantics<subcore_parallel>], iteration_bounds = array<i64: 2, 16>, scalar_prefetch = 0 : i64, scratch_operands = 41 : i64, tpu.core_type = #tpu.core_type<sc_vector_subcore>, window_params = [{transform_indices = #map}, {transform_indices = #map1}, {transform_indices = #map}, {transform_indices = #map}]} {
    %mul3A = arith.constant 10000 : i32
    %mul3A_0 = arith.muli %arg1, %mul3A : i32
    %mul3A_1 = arith.constant 128 : i32
    %mul3A_2 = arith.muli %arg0, %mul3A_1 : i32
    %mul3A_3 = arith.constant 632 : i32
    %mul3A_4 = arith.muli %arg1, %mul3A_3 : i32
    "tpu.region"() ({
      %run_scoped3A = tpu.sem_alloc : memref<!tpu.dma_semaphore, #tpu.memory_space<semaphore_mem>>
      %dma_start3A_272 = arith.constant 0 : i32
      %dma_start3A_273 = tpu.memref_slice %arg22[%mul3A_4, %dma_start3A_272] : memref<10112x128xf32, #tpu.memory_space<vmem_shared>> -> memref<632x128xf32, #tpu.memory_space<vmem_shared>>
      tpu.enqueue_dma source(%arg4 : memref<632x128xf32, #tpu.memory_space<hbm>>) target(%dma_start3A_273 : memref<632x128xf32, #tpu.memory_space<vmem_shared>>) target_semaphore(%run_scoped3A : memref<!tpu.dma_semaphore, #tpu.memory_space<semaphore_mem>>)
      %dma_wait3A_274 = arith.constant 0 : i32
      %dma_wait3A_275 = tpu.memref_slice %arg22[%mul3A_4, %dma_wait3A_274] : memref<10112x128xf32, #tpu.memory_space<vmem_shared>> -> memref<632x128xf32, #tpu.memory_space<vmem_shared>>
      tpu.wait_dma2 semaphore(%run_scoped3A : memref<!tpu.dma_semaphore, #tpu.memory_space<semaphore_mem>>) src(%arg4 : memref<632x128xf32, #tpu.memory_space<hbm>>) dst(%dma_wait3A_275 : memref<632x128xf32, #tpu.memory_space<vmem_shared>>)
      tpu.yield
    }) : () -> ()
    %barrier3A = arith.constant 0 : index
    tpu.barrier barrier_id(%barrier3A)
    %add3A = arith.constant 160000 : i32
    %add3A_5 = arith.addi %add3A, %mul3A_0 : i32
    %add3A_6 = arith.constant 0 : i32
    %add3A_7 = arith.addi %add3A_5, %add3A_6 : i32
    %dma_start3A = tpu.memref_slice %arg3[%add3A_7] : memref<320000xi32, #tpu.memory_space<hbm>> -> memref<40xi32, #tpu.memory_space<hbm>>
    %dma_start3A_8 = tpu.memref_slice %arg3[%add3A_7] : memref<320000xi32, #tpu.memory_space<hbm>> -> memref<40xi32, #tpu.memory_space<hbm>>
    tpu.enqueue_dma source(%dma_start3A_8 : memref<40xi32, #tpu.memory_space<hbm>>) target(%arg6 : memref<40xi32, #tpu.memory_space<vmem>>) target_semaphore(%arg23 : memref<!tpu.dma_semaphore, #tpu.memory_space<semaphore_mem>>)
    %add3A_9 = arith.constant 0 : i32
    %add3A_10 = arith.addi %mul3A_0, %add3A_9 : i32
    %dma_start3A_11 = tpu.memref_slice %arg2[%add3A_10, %mul3A_2] : memref<160000x256xf32, #tpu.memory_space<hbm>> -> memref<40x128xf32, #tpu.memory_space<hbm>>
    %dma_start3A_12 = tpu.memref_slice %arg2[%add3A_10, %mul3A_2] : memref<160000x256xf32, #tpu.memory_space<hbm>> -> memref<40x128xf32, #tpu.memory_space<hbm>>
    tpu.enqueue_dma source(%dma_start3A_12 : memref<40x128xf32, #tpu.memory_space<hbm>>) target(%arg14 : memref<40x128xf32, #tpu.memory_space<vmem>>) target_semaphore(%arg31 : memref<!tpu.dma_semaphore, #tpu.memory_space<semaphore_mem>>)
    %add3A_13 = arith.constant 160000 : i32
    %add3A_14 = arith.addi %add3A_13, %mul3A_0 : i32
    %add3A_15 = arith.constant 40 : i32
    %add3A_16 = arith.addi %add3A_14, %add3A_15 : i32
    %dma_start3A_17 = tpu.memref_slice %arg3[%add3A_16] : memref<320000xi32, #tpu.memory_space<hbm>> -> memref<40xi32, #tpu.memory_space<hbm>>
    %dma_start3A_18 = tpu.memref_slice %arg3[%add3A_16] : memref<320000xi32, #tpu.memory_space<hbm>> -> memref<40xi32, #tpu.memory_space<hbm>>
    tpu.enqueue_dma source(%dma_start3A_18 : memref<40xi32, #tpu.memory_space<hbm>>) target(%arg7 : memref<40xi32, #tpu.memory_space<vmem>>) target_semaphore(%arg24 : memref<!tpu.dma_semaphore, #tpu.memory_space<semaphore_mem>>)
    %add3A_19 = arith.constant 40 : i32
    %add3A_20 = arith.addi %mul3A_0, %add3A_19 : i32
    %dma_start3A_21 = tpu.memref_slice %arg2[%add3A_20, %mul3A_2] : memref<160000x256xf32, #tpu.memory_space<hbm>> -> memref<40x128xf32, #tpu.memory_space<hbm>>
    %dma_start3A_22 = tpu.memref_slice %arg2[%add3A_20, %mul3A_2] : memref<160000x256xf32, #tpu.memory_space<hbm>> -> memref<40x128xf32, #tpu.memory_space<hbm>>
    tpu.enqueue_dma source(%dma_start3A_22 : memref<40x128xf32, #tpu.memory_space<hbm>>) target(%arg15 : memref<40x128xf32, #tpu.memory_space<vmem>>) target_semaphore(%arg32 : memref<!tpu.dma_semaphore, #tpu.memory_space<semaphore_mem>>)
    %add3A_23 = arith.constant 160000 : i32
    %add3A_24 = arith.addi %add3A_23, %mul3A_0 : i32
    %add3A_25 = arith.constant 80 : i32
    %add3A_26 = arith.addi %add3A_24, %add3A_25 : i32
    %dma_start3A_27 = tpu.memref_slice %arg3[%add3A_26] : memref<320000xi32, #tpu.memory_space<hbm>> -> memref<40xi32, #tpu.memory_space<hbm>>
    %dma_start3A_28 = tpu.memref_slice %arg3[%add3A_26] : memref<320000xi32, #tpu.memory_space<hbm>> -> memref<40xi32, #tpu.memory_space<hbm>>
    tpu.enqueue_dma source(%dma_start3A_28 : memref<40xi32, #tpu.memory_space<hbm>>) target(%arg8 : memref<40xi32, #tpu.memory_space<vmem>>) target_semaphore(%arg25 : memref<!tpu.dma_semaphore, #tpu.memory_space<semaphore_mem>>)
    %add3A_29 = arith.constant 80 : i32
    %add3A_30 = arith.addi %mul3A_0, %add3A_29 : i32
    %dma_start3A_31 = tpu.memref_slice %arg2[%add3A_30, %mul3A_2] : memref<160000x256xf32, #tpu.memory_space<hbm>> -> memref<40x128xf32, #tpu.memory_space<hbm>>
    %dma_start3A_32 = tpu.memref_slice %arg2[%add3A_30, %mul3A_2] : memref<160000x256xf32, #tpu.memory_space<hbm>> -> memref<40x128xf32, #tpu.memory_space<hbm>>
    tpu.enqueue_dma source(%dma_start3A_32 : memref<40x128xf32, #tpu.memory_space<hbm>>) target(%arg16 : memref<40x128xf32, #tpu.memory_space<vmem>>) target_semaphore(%arg33 : memref<!tpu.dma_semaphore, #tpu.memory_space<semaphore_mem>>)
    %add3A_33 = arith.constant 160000 : i32
    %add3A_34 = arith.addi %add3A_33, %mul3A_0 : i32
    %add3A_35 = arith.constant 120 : i32
    %add3A_36 = arith.addi %add3A_34, %add3A_35 : i32
    %dma_start3A_37 = tpu.memref_slice %arg3[%add3A_36] : memref<320000xi32, #tpu.memory_space<hbm>> -> memref<40xi32, #tpu.memory_space<hbm>>
    %dma_start3A_38 = tpu.memref_slice %arg3[%add3A_36] : memref<320000xi32, #tpu.memory_space<hbm>> -> memref<40xi32, #tpu.memory_space<hbm>>
    tpu.enqueue_dma source(%dma_start3A_38 : memref<40xi32, #tpu.memory_space<hbm>>) target(%arg9 : memref<40xi32, #tpu.memory_space<vmem>>) target_semaphore(%arg26 : memref<!tpu.dma_semaphore, #tpu.memory_space<semaphore_mem>>)
    %add3A_39 = arith.constant 120 : i32
    %add3A_40 = arith.addi %mul3A_0, %add3A_39 : i32
    %dma_start3A_41 = tpu.memref_slice %arg2[%add3A_40, %mul3A_2] : memref<160000x256xf32, #tpu.memory_space<hbm>> -> memref<40x128xf32, #tpu.memory_space<hbm>>
    %dma_start3A_42 = tpu.memref_slice %arg2[%add3A_40, %mul3A_2] : memref<160000x256xf32, #tpu.memory_space<hbm>> -> memref<40x128xf32, #tpu.memory_space<hbm>>
    tpu.enqueue_dma source(%dma_start3A_42 : memref<40x128xf32, #tpu.memory_space<hbm>>) target(%arg17 : memref<40x128xf32, #tpu.memory_space<vmem>>) target_semaphore(%arg34 : memref<!tpu.dma_semaphore, #tpu.memory_space<semaphore_mem>>)
    %add3A_43 = arith.constant 160000 : i32
    %add3A_44 = arith.addi %add3A_43, %mul3A_0 : i32
    %add3A_45 = arith.constant 0 : i32
    %add3A_46 = arith.addi %add3A_44, %add3A_45 : i32
    %dma_wait3A = tpu.memref_slice %arg3[%add3A_46] : memref<320000xi32, #tpu.memory_space<hbm>> -> memref<40xi32, #tpu.memory_space<hbm>>
    %dma_wait3A_47 = tpu.memref_slice %arg3[%add3A_46] : memref<320000xi32, #tpu.memory_space<hbm>> -> memref<40xi32, #tpu.memory_space<hbm>>
    tpu.wait_dma2 semaphore(%arg23 : memref<!tpu.dma_semaphore, #tpu.memory_space<semaphore_mem>>) src(%dma_wait3A_47 : memref<40xi32, #tpu.memory_space<hbm>>) dst(%arg6 : memref<40xi32, #tpu.memory_space<vmem>>)
    %add3A_48 = arith.constant 0 : i32
    %add3A_49 = arith.addi %mul3A_0, %add3A_48 : i32
    %dma_wait3A_50 = tpu.memref_slice %arg2[%add3A_49, %mul3A_2] : memref<160000x256xf32, #tpu.memory_space<hbm>> -> memref<40x128xf32, #tpu.memory_space<hbm>>
    %dma_wait3A_51 = tpu.memref_slice %arg2[%add3A_49, %mul3A_2] : memref<160000x256xf32, #tpu.memory_space<hbm>> -> memref<40x128xf32, #tpu.memory_space<hbm>>
    tpu.wait_dma2 semaphore(%arg31 : memref<!tpu.dma_semaphore, #tpu.memory_space<semaphore_mem>>) src(%dma_wait3A_51 : memref<40x128xf32, #tpu.memory_space<hbm>>) dst(%arg14 : memref<40x128xf32, #tpu.memory_space<vmem>>)
    %dma_start3A_52 = arith.constant 0 : i32
    %dma_start3A_53 = arith.constant 0 : i32
    %dma_start3A_54 = tpu.memref_slice %arg22[%dma_start3A_52, %dma_start3A_53] : memref<10112x128xf32, #tpu.memory_space<vmem_shared>> -> memref<10112x128xf32, #tpu.memory_space<vmem_shared>>
    tpu.enqueue_indirect_dma source(%arg14 : memref<40x128xf32, #tpu.memory_space<vmem>>) target(%dma_start3A_54 : memref<10112x128xf32, #tpu.memory_space<vmem_shared>>) offsets(%arg6 : memref<40xi32, #tpu.memory_space<vmem>>) semaphore(%arg39 : memref<!tpu.dma_semaphore, #tpu.memory_space<semaphore_mem>>) {add = true}
    %add3A_55 = arith.constant 160000 : i32
    %add3A_56 = arith.addi %add3A_55, %mul3A_0 : i32
    %add3A_57 = arith.constant 160 : i32
    %add3A_58 = arith.addi %add3A_56, %add3A_57 : i32
    %dma_start3A_59 = tpu.memref_slice %arg3[%add3A_58] : memref<320000xi32, #tpu.memory_space<hbm>> -> memref<40xi32, #tpu.memory_space<hbm>>
    %dma_start3A_60 = tpu.memref_slice %arg3[%add3A_58] : memref<320000xi32, #tpu.memory_space<hbm>> -> memref<40xi32, #tpu.memory_space<hbm>>
    tpu.enqueue_dma source(%dma_start3A_60 : memref<40xi32, #tpu.memory_space<hbm>>) target(%arg10 : memref<40xi32, #tpu.memory_space<vmem>>) target_semaphore(%arg27 : memref<!tpu.dma_semaphore, #tpu.memory_space<semaphore_mem>>)
    %add3A_61 = arith.constant 160 : i32
    %add3A_62 = arith.addi %mul3A_0, %add3A_61 : i32
    %dma_start3A_63 = tpu.memref_slice %arg2[%add3A_62, %mul3A_2] : memref<160000x256xf32, #tpu.memory_space<hbm>> -> memref<40x128xf32, #tpu.memory_space<hbm>>
    %dma_start3A_64 = tpu.memref_slice %arg2[%add3A_62, %mul3A_2] : memref<160000x256xf32, #tpu.memory_space<hbm>> -> memref<40x128xf32, #tpu.memory_space<hbm>>
    tpu.enqueue_dma source(%dma_start3A_64 : memref<40x128xf32, #tpu.memory_space<hbm>>) target(%arg18 : memref<40x128xf32, #tpu.memory_space<vmem>>) target_semaphore(%arg35 : memref<!tpu.dma_semaphore, #tpu.memory_space<semaphore_mem>>)
    %add3A_65 = arith.constant 160000 : i32
    %add3A_66 = arith.addi %add3A_65, %mul3A_0 : i32
    %add3A_67 = arith.constant 40 : i32
    %add3A_68 = arith.addi %add3A_66, %add3A_67 : i32
    %dma_wait3A_69 = tpu.memref_slice %arg3[%add3A_68] : memref<320000xi32, #tpu.memory_space<hbm>> -> memref<40xi32, #tpu.memory_space<hbm>>
    %dma_wait3A_70 = tpu.memref_slice %arg3[%add3A_68] : memref<320000xi32, #tpu.memory_space<hbm>> -> memref<40xi32, #tpu.memory_space<hbm>>
    tpu.wait_dma2 semaphore(%arg24 : memref<!tpu.dma_semaphore, #tpu.memory_space<semaphore_mem>>) src(%dma_wait3A_70 : memref<40xi32, #tpu.memory_space<hbm>>) dst(%arg7 : memref<40xi32, #tpu.memory_space<vmem>>)
    %add3A_71 = arith.constant 40 : i32
    %add3A_72 = arith.addi %mul3A_0, %add3A_71 : i32
    %dma_wait3A_73 = tpu.memref_slice %arg2[%add3A_72, %mul3A_2] : memref<160000x256xf32, #tpu.memory_space<hbm>> -> memref<40x128xf32, #tpu.memory_space<hbm>>
    %dma_wait3A_74 = tpu.memref_slice %arg2[%add3A_72, %mul3A_2] : memref<160000x256xf32, #tpu.memory_space<hbm>> -> memref<40x128xf32, #tpu.memory_space<hbm>>
    tpu.wait_dma2 semaphore(%arg32 : memref<!tpu.dma_semaphore, #tpu.memory_space<semaphore_mem>>) src(%dma_wait3A_74 : memref<40x128xf32, #tpu.memory_space<hbm>>) dst(%arg15 : memref<40x128xf32, #tpu.memory_space<vmem>>)
    %dma_start3A_75 = arith.constant 0 : i32
    %dma_start3A_76 = arith.constant 0 : i32
    %dma_start3A_77 = tpu.memref_slice %arg22[%dma_start3A_75, %dma_start3A_76] : memref<10112x128xf32, #tpu.memory_space<vmem_shared>> -> memref<10112x128xf32, #tpu.memory_space<vmem_shared>>
    tpu.enqueue_indirect_dma source(%arg15 : memref<40x128xf32, #tpu.memory_space<vmem>>) target(%dma_start3A_77 : memref<10112x128xf32, #tpu.memory_space<vmem_shared>>) offsets(%arg7 : memref<40xi32, #tpu.memory_space<vmem>>) semaphore(%arg40 : memref<!tpu.dma_semaphore, #tpu.memory_space<semaphore_mem>>) {add = true}
    %add3A_78 = arith.constant 160000 : i32
    %add3A_79 = arith.addi %add3A_78, %mul3A_0 : i32
    %add3A_80 = arith.constant 200 : i32
    %add3A_81 = arith.addi %add3A_79, %add3A_80 : i32
    %dma_start3A_82 = tpu.memref_slice %arg3[%add3A_81] : memref<320000xi32, #tpu.memory_space<hbm>> -> memref<40xi32, #tpu.memory_space<hbm>>
    %dma_start3A_83 = tpu.memref_slice %arg3[%add3A_81] : memref<320000xi32, #tpu.memory_space<hbm>> -> memref<40xi32, #tpu.memory_space<hbm>>
    tpu.enqueue_dma source(%dma_start3A_83 : memref<40xi32, #tpu.memory_space<hbm>>) target(%arg11 : memref<40xi32, #tpu.memory_space<vmem>>) target_semaphore(%arg28 : memref<!tpu.dma_semaphore, #tpu.memory_space<semaphore_mem>>)
    %add3A_84 = arith.constant 200 : i32
    %add3A_85 = arith.addi %mul3A_0, %add3A_84 : i32
    %dma_start3A_86 = tpu.memref_slice %arg2[%add3A_85, %mul3A_2] : memref<160000x256xf32, #tpu.memory_space<hbm>> -> memref<40x128xf32, #tpu.memory_space<hbm>>
    %dma_start3A_87 = tpu.memref_slice %arg2[%add3A_85, %mul3A_2] : memref<160000x256xf32, #tpu.memory_space<hbm>> -> memref<40x128xf32, #tpu.memory_space<hbm>>
    tpu.enqueue_dma source(%dma_start3A_87 : memref<40x128xf32, #tpu.memory_space<hbm>>) target(%arg19 : memref<40x128xf32, #tpu.memory_space<vmem>>) target_semaphore(%arg36 : memref<!tpu.dma_semaphore, #tpu.memory_space<semaphore_mem>>)
    %add3A_88 = arith.constant 160000 : i32
    %add3A_89 = arith.addi %add3A_88, %mul3A_0 : i32
    %add3A_90 = arith.constant 80 : i32
    %add3A_91 = arith.addi %add3A_89, %add3A_90 : i32
    %dma_wait3A_92 = tpu.memref_slice %arg3[%add3A_91] : memref<320000xi32, #tpu.memory_space<hbm>> -> memref<40xi32, #tpu.memory_space<hbm>>
    %dma_wait3A_93 = tpu.memref_slice %arg3[%add3A_91] : memref<320000xi32, #tpu.memory_space<hbm>> -> memref<40xi32, #tpu.memory_space<hbm>>
    tpu.wait_dma2 semaphore(%arg25 : memref<!tpu.dma_semaphore, #tpu.memory_space<semaphore_mem>>) src(%dma_wait3A_93 : memref<40xi32, #tpu.memory_space<hbm>>) dst(%arg8 : memref<40xi32, #tpu.memory_space<vmem>>)
    %add3A_94 = arith.constant 80 : i32
    %add3A_95 = arith.addi %mul3A_0, %add3A_94 : i32
    %dma_wait3A_96 = tpu.memref_slice %arg2[%add3A_95, %mul3A_2] : memref<160000x256xf32, #tpu.memory_space<hbm>> -> memref<40x128xf32, #tpu.memory_space<hbm>>
    %dma_wait3A_97 = tpu.memref_slice %arg2[%add3A_95, %mul3A_2] : memref<160000x256xf32, #tpu.memory_space<hbm>> -> memref<40x128xf32, #tpu.memory_space<hbm>>
    tpu.wait_dma2 semaphore(%arg33 : memref<!tpu.dma_semaphore, #tpu.memory_space<semaphore_mem>>) src(%dma_wait3A_97 : memref<40x128xf32, #tpu.memory_space<hbm>>) dst(%arg16 : memref<40x128xf32, #tpu.memory_space<vmem>>)
    %dma_start3A_98 = arith.constant 0 : i32
    %dma_start3A_99 = arith.constant 0 : i32
    %dma_start3A_100 = tpu.memref_slice %arg22[%dma_start3A_98, %dma_start3A_99] : memref<10112x128xf32, #tpu.memory_space<vmem_shared>> -> memref<10112x128xf32, #tpu.memory_space<vmem_shared>>
    tpu.enqueue_indirect_dma source(%arg16 : memref<40x128xf32, #tpu.memory_space<vmem>>) target(%dma_start3A_100 : memref<10112x128xf32, #tpu.memory_space<vmem_shared>>) offsets(%arg8 : memref<40xi32, #tpu.memory_space<vmem>>) semaphore(%arg41 : memref<!tpu.dma_semaphore, #tpu.memory_space<semaphore_mem>>) {add = true}
    %add3A_101 = arith.constant 160000 : i32
    %add3A_102 = arith.addi %add3A_101, %mul3A_0 : i32
    %add3A_103 = arith.constant 240 : i32
    %add3A_104 = arith.addi %add3A_102, %add3A_103 : i32
    %dma_start3A_105 = tpu.memref_slice %arg3[%add3A_104] : memref<320000xi32, #tpu.memory_space<hbm>> -> memref<40xi32, #tpu.memory_space<hbm>>
    %dma_start3A_106 = tpu.memref_slice %arg3[%add3A_104] : memref<320000xi32, #tpu.memory_space<hbm>> -> memref<40xi32, #tpu.memory_space<hbm>>
    tpu.enqueue_dma source(%dma_start3A_106 : memref<40xi32, #tpu.memory_space<hbm>>) target(%arg12 : memref<40xi32, #tpu.memory_space<vmem>>) target_semaphore(%arg29 : memref<!tpu.dma_semaphore, #tpu.memory_space<semaphore_mem>>)
    %add3A_107 = arith.constant 240 : i32
    %add3A_108 = arith.addi %mul3A_0, %add3A_107 : i32
    %dma_start3A_109 = tpu.memref_slice %arg2[%add3A_108, %mul3A_2] : memref<160000x256xf32, #tpu.memory_space<hbm>> -> memref<40x128xf32, #tpu.memory_space<hbm>>
    %dma_start3A_110 = tpu.memref_slice %arg2[%add3A_108, %mul3A_2] : memref<160000x256xf32, #tpu.memory_space<hbm>> -> memref<40x128xf32, #tpu.memory_space<hbm>>
    tpu.enqueue_dma source(%dma_start3A_110 : memref<40x128xf32, #tpu.memory_space<hbm>>) target(%arg20 : memref<40x128xf32, #tpu.memory_space<vmem>>) target_semaphore(%arg37 : memref<!tpu.dma_semaphore, #tpu.memory_space<semaphore_mem>>)
    %add3A_111 = arith.constant 160000 : i32
    %add3A_112 = arith.addi %add3A_111, %mul3A_0 : i32
    %add3A_113 = arith.constant 120 : i32
    %add3A_114 = arith.addi %add3A_112, %add3A_113 : i32
    %dma_wait3A_115 = tpu.memref_slice %arg3[%add3A_114] : memref<320000xi32, #tpu.memory_space<hbm>> -> memref<40xi32, #tpu.memory_space<hbm>>
    %dma_wait3A_116 = tpu.memref_slice %arg3[%add3A_114] : memref<320000xi32, #tpu.memory_space<hbm>> -> memref<40xi32, #tpu.memory_space<hbm>>
    tpu.wait_dma2 semaphore(%arg26 : memref<!tpu.dma_semaphore, #tpu.memory_space<semaphore_mem>>) src(%dma_wait3A_116 : memref<40xi32, #tpu.memory_space<hbm>>) dst(%arg9 : memref<40xi32, #tpu.memory_space<vmem>>)
    %add3A_117 = arith.constant 120 : i32
    %add3A_118 = arith.addi %mul3A_0, %add3A_117 : i32
    %dma_wait3A_119 = tpu.memref_slice %arg2[%add3A_118, %mul3A_2] : memref<160000x256xf32, #tpu.memory_space<hbm>> -> memref<40x128xf32, #tpu.memory_space<hbm>>
    %dma_wait3A_120 = tpu.memref_slice %arg2[%add3A_118, %mul3A_2] : memref<160000x256xf32, #tpu.memory_space<hbm>> -> memref<40x128xf32, #tpu.memory_space<hbm>>
    tpu.wait_dma2 semaphore(%arg34 : memref<!tpu.dma_semaphore, #tpu.memory_space<semaphore_mem>>) src(%dma_wait3A_120 : memref<40x128xf32, #tpu.memory_space<hbm>>) dst(%arg17 : memref<40x128xf32, #tpu.memory_space<vmem>>)
    %dma_start3A_121 = arith.constant 0 : i32
    %dma_start3A_122 = arith.constant 0 : i32
    %dma_start3A_123 = tpu.memref_slice %arg22[%dma_start3A_121, %dma_start3A_122] : memref<10112x128xf32, #tpu.memory_space<vmem_shared>> -> memref<10112x128xf32, #tpu.memory_space<vmem_shared>>
    tpu.enqueue_indirect_dma source(%arg17 : memref<40x128xf32, #tpu.memory_space<vmem>>) target(%dma_start3A_123 : memref<10112x128xf32, #tpu.memory_space<vmem_shared>>) offsets(%arg9 : memref<40xi32, #tpu.memory_space<vmem>>) semaphore(%arg42 : memref<!tpu.dma_semaphore, #tpu.memory_space<semaphore_mem>>) {add = true}
    %add3A_124 = arith.constant 160000 : i32
    %add3A_125 = arith.addi %add3A_124, %mul3A_0 : i32
    %add3A_126 = arith.constant 280 : i32
    %add3A_127 = arith.addi %add3A_125, %add3A_126 : i32
    %dma_start3A_128 = tpu.memref_slice %arg3[%add3A_127] : memref<320000xi32, #tpu.memory_space<hbm>> -> memref<40xi32, #tpu.memory_space<hbm>>
    %dma_start3A_129 = tpu.memref_slice %arg3[%add3A_127] : memref<320000xi32, #tpu.memory_space<hbm>> -> memref<40xi32, #tpu.memory_space<hbm>>
    tpu.enqueue_dma source(%dma_start3A_129 : memref<40xi32, #tpu.memory_space<hbm>>) target(%arg13 : memref<40xi32, #tpu.memory_space<vmem>>) target_semaphore(%arg30 : memref<!tpu.dma_semaphore, #tpu.memory_space<semaphore_mem>>)
    %add3A_130 = arith.constant 280 : i32
    %add3A_131 = arith.addi %mul3A_0, %add3A_130 : i32
    %dma_start3A_132 = tpu.memref_slice %arg2[%add3A_131, %mul3A_2] : memref<160000x256xf32, #tpu.memory_space<hbm>> -> memref<40x128xf32, #tpu.memory_space<hbm>>
    %dma_start3A_133 = tpu.memref_slice %arg2[%add3A_131, %mul3A_2] : memref<160000x256xf32, #tpu.memory_space<hbm>> -> memref<40x128xf32, #tpu.memory_space<hbm>>
    tpu.enqueue_dma source(%dma_start3A_133 : memref<40x128xf32, #tpu.memory_space<hbm>>) target(%arg21 : memref<40x128xf32, #tpu.memory_space<vmem>>) target_semaphore(%arg38 : memref<!tpu.dma_semaphore, #tpu.memory_space<semaphore_mem>>)
    %scan3A = arith.constant 0 : i32
    %scan3A_134 = arith.constant 0 : i32
    %scan3A_135 = arith.constant 30 : i32
    %scan3A_136 = arith.addi %scan3A_134, %scan3A_135 : i32
    %scan3A_137 = arith.constant 1 : i32
    scf.for %scan3A_272 = %scan3A_134 to %scan3A_136 step %scan3A_137  : i32 {
      %mul3A_273 = arith.constant 8 : i32
      %mul3A_274 = arith.muli %mul3A_273, %scan3A_272 : i32
      %add3A_275 = arith.constant 4 : i32
      %add3A_276 = arith.addi %mul3A_274, %add3A_275 : i32
      %add3A_277 = arith.constant 0 : i32
      %add3A_278 = arith.addi %add3A_276, %add3A_277 : i32
      %add3A_279 = arith.constant 160000 : i32
      %add3A_280 = arith.addi %add3A_279, %mul3A_0 : i32
      %mul3A_281 = arith.constant 40 : i32
      %mul3A_282 = arith.muli %add3A_278, %mul3A_281 : i32
      %add3A_283 = arith.addi %add3A_280, %mul3A_282 : i32
      %dma_wait3A_284 = tpu.memref_slice %arg3[%add3A_283] : memref<320000xi32, #tpu.memory_space<hbm>> -> memref<40xi32, #tpu.memory_space<hbm>>
      %dma_wait3A_285 = tpu.memref_slice %arg3[%add3A_283] : memref<320000xi32, #tpu.memory_space<hbm>> -> memref<40xi32, #tpu.memory_space<hbm>>
      tpu.wait_dma2 semaphore(%arg27 : memref<!tpu.dma_semaphore, #tpu.memory_space<semaphore_mem>>) src(%dma_wait3A_285 : memref<40xi32, #tpu.memory_space<hbm>>) dst(%arg10 : memref<40xi32, #tpu.memory_space<vmem>>)
      %mul3A_286 = arith.constant 40 : i32
      %mul3A_287 = arith.muli %add3A_278, %mul3A_286 : i32
      %add3A_288 = arith.addi %mul3A_0, %mul3A_287 : i32
      %dma_wait3A_289 = tpu.memref_slice %arg2[%add3A_288, %mul3A_2] : memref<160000x256xf32, #tpu.memory_space<hbm>> -> memref<40x128xf32, #tpu.memory_space<hbm>>
      %dma_wait3A_290 = tpu.memref_slice %arg2[%add3A_288, %mul3A_2] : memref<160000x256xf32, #tpu.memory_space<hbm>> -> memref<40x128xf32, #tpu.memory_space<hbm>>
      tpu.wait_dma2 semaphore(%arg35 : memref<!tpu.dma_semaphore, #tpu.memory_space<semaphore_mem>>) src(%dma_wait3A_290 : memref<40x128xf32, #tpu.memory_space<hbm>>) dst(%arg18 : memref<40x128xf32, #tpu.memory_space<vmem>>)
      %dma_wait3A_291 = arith.constant 0 : i32
      %dma_wait3A_292 = arith.constant 0 : i32
      %dma_wait3A_293 = tpu.memref_slice %arg22[%dma_wait3A_291, %dma_wait3A_292] : memref<10112x128xf32, #tpu.memory_space<vmem_shared>> -> memref<10112x128xf32, #tpu.memory_space<vmem_shared>>
      tpu.wait_indirect_dma semaphore(%arg39 : memref<!tpu.dma_semaphore, #tpu.memory_space<semaphore_mem>>) src(%arg14 : memref<40x128xf32, #tpu.memory_space<vmem>>) dst(%dma_wait3A_293 : memref<10112x128xf32, #tpu.memory_space<vmem_shared>>)
      %dma_start3A_294 = arith.constant 0 : i32
      %dma_start3A_295 = arith.constant 0 : i32
      %dma_start3A_296 = tpu.memref_slice %arg22[%dma_start3A_294, %dma_start3A_295] : memref<10112x128xf32, #tpu.memory_space<vmem_shared>> -> memref<10112x128xf32, #tpu.memory_space<vmem_shared>>
      tpu.enqueue_indirect_dma source(%arg18 : memref<40x128xf32, #tpu.memory_space<vmem>>) target(%dma_start3A_296 : memref<10112x128xf32, #tpu.memory_space<vmem_shared>>) offsets(%arg10 : memref<40xi32, #tpu.memory_space<vmem>>) semaphore(%arg43 : memref<!tpu.dma_semaphore, #tpu.memory_space<semaphore_mem>>) {add = true}
      %add3A_297 = arith.constant 4 : i32
      %add3A_298 = arith.addi %add3A_278, %add3A_297 : i32
      %add3A_299 = arith.constant 160000 : i32
      %add3A_300 = arith.addi %add3A_299, %mul3A_0 : i32
      %mul3A_301 = arith.constant 40 : i32
      %mul3A_302 = arith.muli %add3A_298, %mul3A_301 : i32
      %add3A_303 = arith.addi %add3A_300, %mul3A_302 : i32
      %dma_start3A_304 = tpu.memref_slice %arg3[%add3A_303] : memref<320000xi32, #tpu.memory_space<hbm>> -> memref<40xi32, #tpu.memory_space<hbm>>
      %dma_start3A_305 = tpu.memref_slice %arg3[%add3A_303] : memref<320000xi32, #tpu.memory_space<hbm>> -> memref<40xi32, #tpu.memory_space<hbm>>
      tpu.enqueue_dma source(%dma_start3A_305 : memref<40xi32, #tpu.memory_space<hbm>>) target(%arg6 : memref<40xi32, #tpu.memory_space<vmem>>) target_semaphore(%arg23 : memref<!tpu.dma_semaphore, #tpu.memory_space<semaphore_mem>>)
      %mul3A_306 = arith.constant 40 : i32
      %mul3A_307 = arith.muli %add3A_298, %mul3A_306 : i32
      %add3A_308 = arith.addi %mul3A_0, %mul3A_307 : i32
      %dma_start3A_309 = tpu.memref_slice %arg2[%add3A_308, %mul3A_2] : memref<160000x256xf32, #tpu.memory_space<hbm>> -> memref<40x128xf32, #tpu.memory_space<hbm>>
      %dma_start3A_310 = tpu.memref_slice %arg2[%add3A_308, %mul3A_2] : memref<160000x256xf32, #tpu.memory_space<hbm>> -> memref<40x128xf32, #tpu.memory_space<hbm>>
      tpu.enqueue_dma source(%dma_start3A_310 : memref<40x128xf32, #tpu.memory_space<hbm>>) target(%arg14 : memref<40x128xf32, #tpu.memory_space<vmem>>) target_semaphore(%arg31 : memref<!tpu.dma_semaphore, #tpu.memory_space<semaphore_mem>>)
      %mul3A_311 = arith.constant 8 : i32
      %mul3A_312 = arith.muli %mul3A_311, %scan3A_272 : i32
      %add3A_313 = arith.constant 4 : i32
      %add3A_314 = arith.addi %mul3A_312, %add3A_313 : i32
      %add3A_315 = arith.constant 1 : i32
      %add3A_316 = arith.addi %add3A_314, %add3A_315 : i32
      %add3A_317 = arith.constant 160000 : i32
      %add3A_318 = arith.addi %add3A_317, %mul3A_0 : i32
      %mul3A_319 = arith.constant 40 : i32
      %mul3A_320 = arith.muli %add3A_316, %mul3A_319 : i32
      %add3A_321 = arith.addi %add3A_318, %mul3A_320 : i32
      %dma_wait3A_322 = tpu.memref_slice %arg3[%add3A_321] : memref<320000xi32, #tpu.memory_space<hbm>> -> memref<40xi32, #tpu.memory_space<hbm>>
      %dma_wait3A_323 = tpu.memref_slice %arg3[%add3A_321] : memref<320000xi32, #tpu.memory_space<hbm>> -> memref<40xi32, #tpu.memory_space<hbm>>
      tpu.wait_dma2 semaphore(%arg28 : memref<!tpu.dma_semaphore, #tpu.memory_space<semaphore_mem>>) src(%dma_wait3A_323 : memref<40xi32, #tpu.memory_space<hbm>>) dst(%arg11 : memref<40xi32, #tpu.memory_space<vmem>>)
      %mul3A_324 = arith.constant 40 : i32
      %mul3A_325 = arith.muli %add3A_316, %mul3A_324 : i32
      %add3A_326 = arith.addi %mul3A_0, %mul3A_325 : i32
      %dma_wait3A_327 = tpu.memref_slice %arg2[%add3A_326, %mul3A_2] : memref<160000x256xf32, #tpu.memory_space<hbm>> -> memref<40x128xf32, #tpu.memory_space<hbm>>
      %dma_wait3A_328 = tpu.memref_slice %arg2[%add3A_326, %mul3A_2] : memref<160000x256xf32, #tpu.memory_space<hbm>> -> memref<40x128xf32, #tpu.memory_space<hbm>>
      tpu.wait_dma2 semaphore(%arg36 : memref<!tpu.dma_semaphore, #tpu.memory_space<semaphore_mem>>) src(%dma_wait3A_328 : memref<40x128xf32, #tpu.memory_space<hbm>>) dst(%arg19 : memref<40x128xf32, #tpu.memory_space<vmem>>)
      %dma_wait3A_329 = arith.constant 0 : i32
      %dma_wait3A_330 = arith.constant 0 : i32
      %dma_wait3A_331 = tpu.memref_slice %arg22[%dma_wait3A_329, %dma_wait3A_330] : memref<10112x128xf32, #tpu.memory_space<vmem_shared>> -> memref<10112x128xf32, #tpu.memory_space<vmem_shared>>
      tpu.wait_indirect_dma semaphore(%arg40 : memref<!tpu.dma_semaphore, #tpu.memory_space<semaphore_mem>>) src(%arg15 : memref<40x128xf32, #tpu.memory_space<vmem>>) dst(%dma_wait3A_331 : memref<10112x128xf32, #tpu.memory_space<vmem_shared>>)
      %dma_start3A_332 = arith.constant 0 : i32
      %dma_start3A_333 = arith.constant 0 : i32
      %dma_start3A_334 = tpu.memref_slice %arg22[%dma_start3A_332, %dma_start3A_333] : memref<10112x128xf32, #tpu.memory_space<vmem_shared>> -> memref<10112x128xf32, #tpu.memory_space<vmem_shared>>
      tpu.enqueue_indirect_dma source(%arg19 : memref<40x128xf32, #tpu.memory_space<vmem>>) target(%dma_start3A_334 : memref<10112x128xf32, #tpu.memory_space<vmem_shared>>) offsets(%arg11 : memref<40xi32, #tpu.memory_space<vmem>>) semaphore(%arg44 : memref<!tpu.dma_semaphore, #tpu.memory_space<semaphore_mem>>) {add = true}
      %add3A_335 = arith.constant 4 : i32
      %add3A_336 = arith.addi %add3A_316, %add3A_335 : i32
      %add3A_337 = arith.constant 160000 : i32
      %add3A_338 = arith.addi %add3A_337, %mul3A_0 : i32
      %mul3A_339 = arith.constant 40 : i32
      %mul3A_340 = arith.muli %add3A_336, %mul3A_339 : i32
      %add3A_341 = arith.addi %add3A_338, %mul3A_340 : i32
      %dma_start3A_342 = tpu.memref_slice %arg3[%add3A_341] : memref<320000xi32, #tpu.memory_space<hbm>> -> memref<40xi32, #tpu.memory_space<hbm>>
      %dma_start3A_343 = tpu.memref_slice %arg3[%add3A_341] : memref<320000xi32, #tpu.memory_space<hbm>> -> memref<40xi32, #tpu.memory_space<hbm>>
      tpu.enqueue_dma source(%dma_start3A_343 : memref<40xi32, #tpu.memory_space<hbm>>) target(%arg7 : memref<40xi32, #tpu.memory_space<vmem>>) target_semaphore(%arg24 : memref<!tpu.dma_semaphore, #tpu.memory_space<semaphore_mem>>)
      %mul3A_344 = arith.constant 40 : i32
      %mul3A_345 = arith.muli %add3A_336, %mul3A_344 : i32
      %add3A_346 = arith.addi %mul3A_0, %mul3A_345 : i32
      %dma_start3A_347 = tpu.memref_slice %arg2[%add3A_346, %mul3A_2] : memref<160000x256xf32, #tpu.memory_space<hbm>> -> memref<40x128xf32, #tpu.memory_space<hbm>>
      %dma_start3A_348 = tpu.memref_slice %arg2[%add3A_346, %mul3A_2] : memref<160000x256xf32, #tpu.memory_space<hbm>> -> memref<40x128xf32, #tpu.memory_space<hbm>>
      tpu.enqueue_dma source(%dma_start3A_348 : memref<40x128xf32, #tpu.memory_space<hbm>>) target(%arg15 : memref<40x128xf32, #tpu.memory_space<vmem>>) target_semaphore(%arg32 : memref<!tpu.dma_semaphore, #tpu.memory_space<semaphore_mem>>)
      %mul3A_349 = arith.constant 8 : i32
      %mul3A_350 = arith.muli %mul3A_349, %scan3A_272 : i32
      %add3A_351 = arith.constant 4 : i32
      %add3A_352 = arith.addi %mul3A_350, %add3A_351 : i32
      %add3A_353 = arith.constant 2 : i32
      %add3A_354 = arith.addi %add3A_352, %add3A_353 : i32
      %add3A_355 = arith.constant 160000 : i32
      %add3A_356 = arith.addi %add3A_355, %mul3A_0 : i32
      %mul3A_357 = arith.constant 40 : i32
      %mul3A_358 = arith.muli %add3A_354, %mul3A_357 : i32
      %add3A_359 = arith.addi %add3A_356, %mul3A_358 : i32
      %dma_wait3A_360 = tpu.memref_slice %arg3[%add3A_359] : memref<320000xi32, #tpu.memory_space<hbm>> -> memref<40xi32, #tpu.memory_space<hbm>>
      %dma_wait3A_361 = tpu.memref_slice %arg3[%add3A_359] : memref<320000xi32, #tpu.memory_space<hbm>> -> memref<40xi32, #tpu.memory_space<hbm>>
      tpu.wait_dma2 semaphore(%arg29 : memref<!tpu.dma_semaphore, #tpu.memory_space<semaphore_mem>>) src(%dma_wait3A_361 : memref<40xi32, #tpu.memory_space<hbm>>) dst(%arg12 : memref<40xi32, #tpu.memory_space<vmem>>)
      %mul3A_362 = arith.constant 40 : i32
      %mul3A_363 = arith.muli %add3A_354, %mul3A_362 : i32
      %add3A_364 = arith.addi %mul3A_0, %mul3A_363 : i32
      %dma_wait3A_365 = tpu.memref_slice %arg2[%add3A_364, %mul3A_2] : memref<160000x256xf32, #tpu.memory_space<hbm>> -> memref<40x128xf32, #tpu.memory_space<hbm>>
      %dma_wait3A_366 = tpu.memref_slice %arg2[%add3A_364, %mul3A_2] : memref<160000x256xf32, #tpu.memory_space<hbm>> -> memref<40x128xf32, #tpu.memory_space<hbm>>
      tpu.wait_dma2 semaphore(%arg37 : memref<!tpu.dma_semaphore, #tpu.memory_space<semaphore_mem>>) src(%dma_wait3A_366 : memref<40x128xf32, #tpu.memory_space<hbm>>) dst(%arg20 : memref<40x128xf32, #tpu.memory_space<vmem>>)
      %dma_wait3A_367 = arith.constant 0 : i32
      %dma_wait3A_368 = arith.constant 0 : i32
      %dma_wait3A_369 = tpu.memref_slice %arg22[%dma_wait3A_367, %dma_wait3A_368] : memref<10112x128xf32, #tpu.memory_space<vmem_shared>> -> memref<10112x128xf32, #tpu.memory_space<vmem_shared>>
      tpu.wait_indirect_dma semaphore(%arg41 : memref<!tpu.dma_semaphore, #tpu.memory_space<semaphore_mem>>) src(%arg16 : memref<40x128xf32, #tpu.memory_space<vmem>>) dst(%dma_wait3A_369 : memref<10112x128xf32, #tpu.memory_space<vmem_shared>>)
      %dma_start3A_370 = arith.constant 0 : i32
      %dma_start3A_371 = arith.constant 0 : i32
      %dma_start3A_372 = tpu.memref_slice %arg22[%dma_start3A_370, %dma_start3A_371] : memref<10112x128xf32, #tpu.memory_space<vmem_shared>> -> memref<10112x128xf32, #tpu.memory_space<vmem_shared>>
      tpu.enqueue_indirect_dma source(%arg20 : memref<40x128xf32, #tpu.memory_space<vmem>>) target(%dma_start3A_372 : memref<10112x128xf32, #tpu.memory_space<vmem_shared>>) offsets(%arg12 : memref<40xi32, #tpu.memory_space<vmem>>) semaphore(%arg45 : memref<!tpu.dma_semaphore, #tpu.memory_space<semaphore_mem>>) {add = true}
      %add3A_373 = arith.constant 4 : i32
      %add3A_374 = arith.addi %add3A_354, %add3A_373 : i32
      %add3A_375 = arith.constant 160000 : i32
      %add3A_376 = arith.addi %add3A_375, %mul3A_0 : i32
      %mul3A_377 = arith.constant 40 : i32
      %mul3A_378 = arith.muli %add3A_374, %mul3A_377 : i32
      %add3A_379 = arith.addi %add3A_376, %mul3A_378 : i32
      %dma_start3A_380 = tpu.memref_slice %arg3[%add3A_379] : memref<320000xi32, #tpu.memory_space<hbm>> -> memref<40xi32, #tpu.memory_space<hbm>>
      %dma_start3A_381 = tpu.memref_slice %arg3[%add3A_379] : memref<320000xi32, #tpu.memory_space<hbm>> -> memref<40xi32, #tpu.memory_space<hbm>>
      tpu.enqueue_dma source(%dma_start3A_381 : memref<40xi32, #tpu.memory_space<hbm>>) target(%arg8 : memref<40xi32, #tpu.memory_space<vmem>>) target_semaphore(%arg25 : memref<!tpu.dma_semaphore, #tpu.memory_space<semaphore_mem>>)
      %mul3A_382 = arith.constant 40 : i32
      %mul3A_383 = arith.muli %add3A_374, %mul3A_382 : i32
      %add3A_384 = arith.addi %mul3A_0, %mul3A_383 : i32
      %dma_start3A_385 = tpu.memref_slice %arg2[%add3A_384, %mul3A_2] : memref<160000x256xf32, #tpu.memory_space<hbm>> -> memref<40x128xf32, #tpu.memory_space<hbm>>
      %dma_start3A_386 = tpu.memref_slice %arg2[%add3A_384, %mul3A_2] : memref<160000x256xf32, #tpu.memory_space<hbm>> -> memref<40x128xf32, #tpu.memory_space<hbm>>
      tpu.enqueue_dma source(%dma_start3A_386 : memref<40x128xf32, #tpu.memory_space<hbm>>) target(%arg16 : memref<40x128xf32, #tpu.memory_space<vmem>>) target_semaphore(%arg33 : memref<!tpu.dma_semaphore, #tpu.memory_space<semaphore_mem>>)
      %mul3A_387 = arith.constant 8 : i32
      %mul3A_388 = arith.muli %mul3A_387, %scan3A_272 : i32
      %add3A_389 = arith.constant 4 : i32
      %add3A_390 = arith.addi %mul3A_388, %add3A_389 : i32
      %add3A_391 = arith.constant 3 : i32
      %add3A_392 = arith.addi %add3A_390, %add3A_391 : i32
      %add3A_393 = arith.constant 160000 : i32
      %add3A_394 = arith.addi %add3A_393, %mul3A_0 : i32
      %mul3A_395 = arith.constant 40 : i32
      %mul3A_396 = arith.muli %add3A_392, %mul3A_395 : i32
      %add3A_397 = arith.addi %add3A_394, %mul3A_396 : i32
      %dma_wait3A_398 = tpu.memref_slice %arg3[%add3A_397] : memref<320000xi32, #tpu.memory_space<hbm>> -> memref<40xi32, #tpu.memory_space<hbm>>
      %dma_wait3A_399 = tpu.memref_slice %arg3[%add3A_397] : memref<320000xi32, #tpu.memory_space<hbm>> -> memref<40xi32, #tpu.memory_space<hbm>>
      tpu.wait_dma2 semaphore(%arg30 : memref<!tpu.dma_semaphore, #tpu.memory_space<semaphore_mem>>) src(%dma_wait3A_399 : memref<40xi32, #tpu.memory_space<hbm>>) dst(%arg13 : memref<40xi32, #tpu.memory_space<vmem>>)
      %mul3A_400 = arith.constant 40 : i32
      %mul3A_401 = arith.muli %add3A_392, %mul3A_400 : i32
      %add3A_402 = arith.addi %mul3A_0, %mul3A_401 : i32
      %dma_wait3A_403 = tpu.memref_slice %arg2[%add3A_402, %mul3A_2] : memref<160000x256xf32, #tpu.memory_space<hbm>> -> memref<40x128xf32, #tpu.memory_space<hbm>>
      %dma_wait3A_404 = tpu.memref_slice %arg2[%add3A_402, %mul3A_2] : memref<160000x256xf32, #tpu.memory_space<hbm>> -> memref<40x128xf32, #tpu.memory_space<hbm>>
      tpu.wait_dma2 semaphore(%arg38 : memref<!tpu.dma_semaphore, #tpu.memory_space<semaphore_mem>>) src(%dma_wait3A_404 : memref<40x128xf32, #tpu.memory_space<hbm>>) dst(%arg21 : memref<40x128xf32, #tpu.memory_space<vmem>>)
      %dma_wait3A_405 = arith.constant 0 : i32
      %dma_wait3A_406 = arith.constant 0 : i32
      %dma_wait3A_407 = tpu.memref_slice %arg22[%dma_wait3A_405, %dma_wait3A_406] : memref<10112x128xf32, #tpu.memory_space<vmem_shared>> -> memref<10112x128xf32, #tpu.memory_space<vmem_shared>>
      tpu.wait_indirect_dma semaphore(%arg42 : memref<!tpu.dma_semaphore, #tpu.memory_space<semaphore_mem>>) src(%arg17 : memref<40x128xf32, #tpu.memory_space<vmem>>) dst(%dma_wait3A_407 : memref<10112x128xf32, #tpu.memory_space<vmem_shared>>)
      %dma_start3A_408 = arith.constant 0 : i32
      %dma_start3A_409 = arith.constant 0 : i32
      %dma_start3A_410 = tpu.memref_slice %arg22[%dma_start3A_408, %dma_start3A_409] : memref<10112x128xf32, #tpu.memory_space<vmem_shared>> -> memref<10112x128xf32, #tpu.memory_space<vmem_shared>>
      tpu.enqueue_indirect_dma source(%arg21 : memref<40x128xf32, #tpu.memory_space<vmem>>) target(%dma_start3A_410 : memref<10112x128xf32, #tpu.memory_space<vmem_shared>>) offsets(%arg13 : memref<40xi32, #tpu.memory_space<vmem>>) semaphore(%arg46 : memref<!tpu.dma_semaphore, #tpu.memory_space<semaphore_mem>>) {add = true}
      %add3A_411 = arith.constant 4 : i32
      %add3A_412 = arith.addi %add3A_392, %add3A_411 : i32
      %add3A_413 = arith.constant 160000 : i32
      %add3A_414 = arith.addi %add3A_413, %mul3A_0 : i32
      %mul3A_415 = arith.constant 40 : i32
      %mul3A_416 = arith.muli %add3A_412, %mul3A_415 : i32
      %add3A_417 = arith.addi %add3A_414, %mul3A_416 : i32
      %dma_start3A_418 = tpu.memref_slice %arg3[%add3A_417] : memref<320000xi32, #tpu.memory_space<hbm>> -> memref<40xi32, #tpu.memory_space<hbm>>
      %dma_start3A_419 = tpu.memref_slice %arg3[%add3A_417] : memref<320000xi32, #tpu.memory_space<hbm>> -> memref<40xi32, #tpu.memory_space<hbm>>
      tpu.enqueue_dma source(%dma_start3A_419 : memref<40xi32, #tpu.memory_space<hbm>>) target(%arg9 : memref<40xi32, #tpu.memory_space<vmem>>) target_semaphore(%arg26 : memref<!tpu.dma_semaphore, #tpu.memory_space<semaphore_mem>>)
      %mul3A_420 = arith.constant 40 : i32
      %mul3A_421 = arith.muli %add3A_412, %mul3A_420 : i32
      %add3A_422 = arith.addi %mul3A_0, %mul3A_421 : i32
      %dma_start3A_423 = tpu.memref_slice %arg2[%add3A_422, %mul3A_2] : memref<160000x256xf32, #tpu.memory_space<hbm>> -> memref<40x128xf32, #tpu.memory_space<hbm>>
      %dma_start3A_424 = tpu.memref_slice %arg2[%add3A_422, %mul3A_2] : memref<160000x256xf32, #tpu.memory_space<hbm>> -> memref<40x128xf32, #tpu.memory_space<hbm>>
      tpu.enqueue_dma source(%dma_start3A_424 : memref<40x128xf32, #tpu.memory_space<hbm>>) target(%arg17 : memref<40x128xf32, #tpu.memory_space<vmem>>) target_semaphore(%arg34 : memref<!tpu.dma_semaphore, #tpu.memory_space<semaphore_mem>>)
      %mul3A_425 = arith.constant 8 : i32
      %mul3A_426 = arith.muli %mul3A_425, %scan3A_272 : i32
      %add3A_427 = arith.constant 4 : i32
      %add3A_428 = arith.addi %mul3A_426, %add3A_427 : i32
      %add3A_429 = arith.constant 4 : i32
      %add3A_430 = arith.addi %add3A_428, %add3A_429 : i32
      %add3A_431 = arith.constant 160000 : i32
      %add3A_432 = arith.addi %add3A_431, %mul3A_0 : i32
      %mul3A_433 = arith.constant 40 : i32
      %mul3A_434 = arith.muli %add3A_430, %mul3A_433 : i32
      %add3A_435 = arith.addi %add3A_432, %mul3A_434 : i32
      %dma_wait3A_436 = tpu.memref_slice %arg3[%add3A_435] : memref<320000xi32, #tpu.memory_space<hbm>> -> memref<40xi32, #tpu.memory_space<hbm>>
      %dma_wait3A_437 = tpu.memref_slice %arg3[%add3A_435] : memref<320000xi32, #tpu.memory_space<hbm>> -> memref<40xi32, #tpu.memory_space<hbm>>
      tpu.wait_dma2 semaphore(%arg23 : memref<!tpu.dma_semaphore, #tpu.memory_space<semaphore_mem>>) src(%dma_wait3A_437 : memref<40xi32, #tpu.memory_space<hbm>>) dst(%arg6 : memref<40xi32, #tpu.memory_space<vmem>>)
      %mul3A_438 = arith.constant 40 : i32
      %mul3A_439 = arith.muli %add3A_430, %mul3A_438 : i32
      %add3A_440 = arith.addi %mul3A_0, %mul3A_439 : i32
      %dma_wait3A_441 = tpu.memref_slice %arg2[%add3A_440, %mul3A_2] : memref<160000x256xf32, #tpu.memory_space<hbm>> -> memref<40x128xf32, #tpu.memory_space<hbm>>
      %dma_wait3A_442 = tpu.memref_slice %arg2[%add3A_440, %mul3A_2] : memref<160000x256xf32, #tpu.memory_space<hbm>> -> memref<40x128xf32, #tpu.memory_space<hbm>>
      tpu.wait_dma2 semaphore(%arg31 : memref<!tpu.dma_semaphore, #tpu.memory_space<semaphore_mem>>) src(%dma_wait3A_442 : memref<40x128xf32, #tpu.memory_space<hbm>>) dst(%arg14 : memref<40x128xf32, #tpu.memory_space<vmem>>)
      %dma_wait3A_443 = arith.constant 0 : i32
      %dma_wait3A_444 = arith.constant 0 : i32
      %dma_wait3A_445 = tpu.memref_slice %arg22[%dma_wait3A_443, %dma_wait3A_444] : memref<10112x128xf32, #tpu.memory_space<vmem_shared>> -> memref<10112x128xf32, #tpu.memory_space<vmem_shared>>
      tpu.wait_indirect_dma semaphore(%arg43 : memref<!tpu.dma_semaphore, #tpu.memory_space<semaphore_mem>>) src(%arg18 : memref<40x128xf32, #tpu.memory_space<vmem>>) dst(%dma_wait3A_445 : memref<10112x128xf32, #tpu.memory_space<vmem_shared>>)
      %dma_start3A_446 = arith.constant 0 : i32
      %dma_start3A_447 = arith.constant 0 : i32
      %dma_start3A_448 = tpu.memref_slice %arg22[%dma_start3A_446, %dma_start3A_447] : memref<10112x128xf32, #tpu.memory_space<vmem_shared>> -> memref<10112x128xf32, #tpu.memory_space<vmem_shared>>
      tpu.enqueue_indirect_dma source(%arg14 : memref<40x128xf32, #tpu.memory_space<vmem>>) target(%dma_start3A_448 : memref<10112x128xf32, #tpu.memory_space<vmem_shared>>) offsets(%arg6 : memref<40xi32, #tpu.memory_space<vmem>>) semaphore(%arg39 : memref<!tpu.dma_semaphore, #tpu.memory_space<semaphore_mem>>) {add = true}
      %add3A_449 = arith.constant 4 : i32
      %add3A_450 = arith.addi %add3A_430, %add3A_449 : i32
      %add3A_451 = arith.constant 160000 : i32
      %add3A_452 = arith.addi %add3A_451, %mul3A_0 : i32
      %mul3A_453 = arith.constant 40 : i32
      %mul3A_454 = arith.muli %add3A_450, %mul3A_453 : i32
      %add3A_455 = arith.addi %add3A_452, %mul3A_454 : i32
      %dma_start3A_456 = tpu.memref_slice %arg3[%add3A_455] : memref<320000xi32, #tpu.memory_space<hbm>> -> memref<40xi32, #tpu.memory_space<hbm>>
      %dma_start3A_457 = tpu.memref_slice %arg3[%add3A_455] : memref<320000xi32, #tpu.memory_space<hbm>> -> memref<40xi32, #tpu.memory_space<hbm>>
      tpu.enqueue_dma source(%dma_start3A_457 : memref<40xi32, #tpu.memory_space<hbm>>) target(%arg10 : memref<40xi32, #tpu.memory_space<vmem>>) target_semaphore(%arg27 : memref<!tpu.dma_semaphore, #tpu.memory_space<semaphore_mem>>)
      %mul3A_458 = arith.constant 40 : i32
      %mul3A_459 = arith.muli %add3A_450, %mul3A_458 : i32
      %add3A_460 = arith.addi %mul3A_0, %mul3A_459 : i32
      %dma_start3A_461 = tpu.memref_slice %arg2[%add3A_460, %mul3A_2] : memref<160000x256xf32, #tpu.memory_space<hbm>> -> memref<40x128xf32, #tpu.memory_space<hbm>>
      %dma_start3A_462 = tpu.memref_slice %arg2[%add3A_460, %mul3A_2] : memref<160000x256xf32, #tpu.memory_space<hbm>> -> memref<40x128xf32, #tpu.memory_space<hbm>>
      tpu.enqueue_dma source(%dma_start3A_462 : memref<40x128xf32, #tpu.memory_space<hbm>>) target(%arg18 : memref<40x128xf32, #tpu.memory_space<vmem>>) target_semaphore(%arg35 : memref<!tpu.dma_semaphore, #tpu.memory_space<semaphore_mem>>)
      %mul3A_463 = arith.constant 8 : i32
      %mul3A_464 = arith.muli %mul3A_463, %scan3A_272 : i32
      %add3A_465 = arith.constant 4 : i32
      %add3A_466 = arith.addi %mul3A_464, %add3A_465 : i32
      %add3A_467 = arith.constant 5 : i32
      %add3A_468 = arith.addi %add3A_466, %add3A_467 : i32
      %add3A_469 = arith.constant 160000 : i32
      %add3A_470 = arith.addi %add3A_469, %mul3A_0 : i32
      %mul3A_471 = arith.constant 40 : i32
      %mul3A_472 = arith.muli %add3A_468, %mul3A_471 : i32
      %add3A_473 = arith.addi %add3A_470, %mul3A_472 : i32
      %dma_wait3A_474 = tpu.memref_slice %arg3[%add3A_473] : memref<320000xi32, #tpu.memory_space<hbm>> -> memref<40xi32, #tpu.memory_space<hbm>>
      %dma_wait3A_475 = tpu.memref_slice %arg3[%add3A_473] : memref<320000xi32, #tpu.memory_space<hbm>> -> memref<40xi32, #tpu.memory_space<hbm>>
      tpu.wait_dma2 semaphore(%arg24 : memref<!tpu.dma_semaphore, #tpu.memory_space<semaphore_mem>>) src(%dma_wait3A_475 : memref<40xi32, #tpu.memory_space<hbm>>) dst(%arg7 : memref<40xi32, #tpu.memory_space<vmem>>)
      %mul3A_476 = arith.constant 40 : i32
      %mul3A_477 = arith.muli %add3A_468, %mul3A_476 : i32
      %add3A_478 = arith.addi %mul3A_0, %mul3A_477 : i32
      %dma_wait3A_479 = tpu.memref_slice %arg2[%add3A_478, %mul3A_2] : memref<160000x256xf32, #tpu.memory_space<hbm>> -> memref<40x128xf32, #tpu.memory_space<hbm>>
      %dma_wait3A_480 = tpu.memref_slice %arg2[%add3A_478, %mul3A_2] : memref<160000x256xf32, #tpu.memory_space<hbm>> -> memref<40x128xf32, #tpu.memory_space<hbm>>
      tpu.wait_dma2 semaphore(%arg32 : memref<!tpu.dma_semaphore, #tpu.memory_space<semaphore_mem>>) src(%dma_wait3A_480 : memref<40x128xf32, #tpu.memory_space<hbm>>) dst(%arg15 : memref<40x128xf32, #tpu.memory_space<vmem>>)
      %dma_wait3A_481 = arith.constant 0 : i32
      %dma_wait3A_482 = arith.constant 0 : i32
      %dma_wait3A_483 = tpu.memref_slice %arg22[%dma_wait3A_481, %dma_wait3A_482] : memref<10112x128xf32, #tpu.memory_space<vmem_shared>> -> memref<10112x128xf32, #tpu.memory_space<vmem_shared>>
      tpu.wait_indirect_dma semaphore(%arg44 : memref<!tpu.dma_semaphore, #tpu.memory_space<semaphore_mem>>) src(%arg19 : memref<40x128xf32, #tpu.memory_space<vmem>>) dst(%dma_wait3A_483 : memref<10112x128xf32, #tpu.memory_space<vmem_shared>>)
      %dma_start3A_484 = arith.constant 0 : i32
      %dma_start3A_485 = arith.constant 0 : i32
      %dma_start3A_486 = tpu.memref_slice %arg22[%dma_start3A_484, %dma_start3A_485] : memref<10112x128xf32, #tpu.memory_space<vmem_shared>> -> memref<10112x128xf32, #tpu.memory_space<vmem_shared>>
      tpu.enqueue_indirect_dma source(%arg15 : memref<40x128xf32, #tpu.memory_space<vmem>>) target(%dma_start3A_486 : memref<10112x128xf32, #tpu.memory_space<vmem_shared>>) offsets(%arg7 : memref<40xi32, #tpu.memory_space<vmem>>) semaphore(%arg40 : memref<!tpu.dma_semaphore, #tpu.memory_space<semaphore_mem>>) {add = true}
      %add3A_487 = arith.constant 4 : i32
      %add3A_488 = arith.addi %add3A_468, %add3A_487 : i32
      %add3A_489 = arith.constant 160000 : i32
      %add3A_490 = arith.addi %add3A_489, %mul3A_0 : i32
      %mul3A_491 = arith.constant 40 : i32
      %mul3A_492 = arith.muli %add3A_488, %mul3A_491 : i32
      %add3A_493 = arith.addi %add3A_490, %mul3A_492 : i32
      %dma_start3A_494 = tpu.memref_slice %arg3[%add3A_493] : memref<320000xi32, #tpu.memory_space<hbm>> -> memref<40xi32, #tpu.memory_space<hbm>>
      %dma_start3A_495 = tpu.memref_slice %arg3[%add3A_493] : memref<320000xi32, #tpu.memory_space<hbm>> -> memref<40xi32, #tpu.memory_space<hbm>>
      tpu.enqueue_dma source(%dma_start3A_495 : memref<40xi32, #tpu.memory_space<hbm>>) target(%arg11 : memref<40xi32, #tpu.memory_space<vmem>>) target_semaphore(%arg28 : memref<!tpu.dma_semaphore, #tpu.memory_space<semaphore_mem>>)
      %mul3A_496 = arith.constant 40 : i32
      %mul3A_497 = arith.muli %add3A_488, %mul3A_496 : i32
      %add3A_498 = arith.addi %mul3A_0, %mul3A_497 : i32
      %dma_start3A_499 = tpu.memref_slice %arg2[%add3A_498, %mul3A_2] : memref<160000x256xf32, #tpu.memory_space<hbm>> -> memref<40x128xf32, #tpu.memory_space<hbm>>
      %dma_start3A_500 = tpu.memref_slice %arg2[%add3A_498, %mul3A_2] : memref<160000x256xf32, #tpu.memory_space<hbm>> -> memref<40x128xf32, #tpu.memory_space<hbm>>
      tpu.enqueue_dma source(%dma_start3A_500 : memref<40x128xf32, #tpu.memory_space<hbm>>) target(%arg19 : memref<40x128xf32, #tpu.memory_space<vmem>>) target_semaphore(%arg36 : memref<!tpu.dma_semaphore, #tpu.memory_space<semaphore_mem>>)
      %mul3A_501 = arith.constant 8 : i32
      %mul3A_502 = arith.muli %mul3A_501, %scan3A_272 : i32
      %add3A_503 = arith.constant 4 : i32
      %add3A_504 = arith.addi %mul3A_502, %add3A_503 : i32
      %add3A_505 = arith.constant 6 : i32
      %add3A_506 = arith.addi %add3A_504, %add3A_505 : i32
      %add3A_507 = arith.constant 160000 : i32
      %add3A_508 = arith.addi %add3A_507, %mul3A_0 : i32
      %mul3A_509 = arith.constant 40 : i32
      %mul3A_510 = arith.muli %add3A_506, %mul3A_509 : i32
      %add3A_511 = arith.addi %add3A_508, %mul3A_510 : i32
      %dma_wait3A_512 = tpu.memref_slice %arg3[%add3A_511] : memref<320000xi32, #tpu.memory_space<hbm>> -> memref<40xi32, #tpu.memory_space<hbm>>
      %dma_wait3A_513 = tpu.memref_slice %arg3[%add3A_511] : memref<320000xi32, #tpu.memory_space<hbm>> -> memref<40xi32, #tpu.memory_space<hbm>>
      tpu.wait_dma2 semaphore(%arg25 : memref<!tpu.dma_semaphore, #tpu.memory_space<semaphore_mem>>) src(%dma_wait3A_513 : memref<40xi32, #tpu.memory_space<hbm>>) dst(%arg8 : memref<40xi32, #tpu.memory_space<vmem>>)
      %mul3A_514 = arith.constant 40 : i32
      %mul3A_515 = arith.muli %add3A_506, %mul3A_514 : i32
      %add3A_516 = arith.addi %mul3A_0, %mul3A_515 : i32
      %dma_wait3A_517 = tpu.memref_slice %arg2[%add3A_516, %mul3A_2] : memref<160000x256xf32, #tpu.memory_space<hbm>> -> memref<40x128xf32, #tpu.memory_space<hbm>>
      %dma_wait3A_518 = tpu.memref_slice %arg2[%add3A_516, %mul3A_2] : memref<160000x256xf32, #tpu.memory_space<hbm>> -> memref<40x128xf32, #tpu.memory_space<hbm>>
      tpu.wait_dma2 semaphore(%arg33 : memref<!tpu.dma_semaphore, #tpu.memory_space<semaphore_mem>>) src(%dma_wait3A_518 : memref<40x128xf32, #tpu.memory_space<hbm>>) dst(%arg16 : memref<40x128xf32, #tpu.memory_space<vmem>>)
      %dma_wait3A_519 = arith.constant 0 : i32
      %dma_wait3A_520 = arith.constant 0 : i32
      %dma_wait3A_521 = tpu.memref_slice %arg22[%dma_wait3A_519, %dma_wait3A_520] : memref<10112x128xf32, #tpu.memory_space<vmem_shared>> -> memref<10112x128xf32, #tpu.memory_space<vmem_shared>>
      tpu.wait_indirect_dma semaphore(%arg45 : memref<!tpu.dma_semaphore, #tpu.memory_space<semaphore_mem>>) src(%arg20 : memref<40x128xf32, #tpu.memory_space<vmem>>) dst(%dma_wait3A_521 : memref<10112x128xf32, #tpu.memory_space<vmem_shared>>)
      %dma_start3A_522 = arith.constant 0 : i32
      %dma_start3A_523 = arith.constant 0 : i32
      %dma_start3A_524 = tpu.memref_slice %arg22[%dma_start3A_522, %dma_start3A_523] : memref<10112x128xf32, #tpu.memory_space<vmem_shared>> -> memref<10112x128xf32, #tpu.memory_space<vmem_shared>>
      tpu.enqueue_indirect_dma source(%arg16 : memref<40x128xf32, #tpu.memory_space<vmem>>) target(%dma_start3A_524 : memref<10112x128xf32, #tpu.memory_space<vmem_shared>>) offsets(%arg8 : memref<40xi32, #tpu.memory_space<vmem>>) semaphore(%arg41 : memref<!tpu.dma_semaphore, #tpu.memory_space<semaphore_mem>>) {add = true}
      %add3A_525 = arith.constant 4 : i32
      %add3A_526 = arith.addi %add3A_506, %add3A_525 : i32
      %add3A_527 = arith.constant 160000 : i32
      %add3A_528 = arith.addi %add3A_527, %mul3A_0 : i32
      %mul3A_529 = arith.constant 40 : i32
      %mul3A_530 = arith.muli %add3A_526, %mul3A_529 : i32
      %add3A_531 = arith.addi %add3A_528, %mul3A_530 : i32
      %dma_start3A_532 = tpu.memref_slice %arg3[%add3A_531] : memref<320000xi32, #tpu.memory_space<hbm>> -> memref<40xi32, #tpu.memory_space<hbm>>
      %dma_start3A_533 = tpu.memref_slice %arg3[%add3A_531] : memref<320000xi32, #tpu.memory_space<hbm>> -> memref<40xi32, #tpu.memory_space<hbm>>
      tpu.enqueue_dma source(%dma_start3A_533 : memref<40xi32, #tpu.memory_space<hbm>>) target(%arg12 : memref<40xi32, #tpu.memory_space<vmem>>) target_semaphore(%arg29 : memref<!tpu.dma_semaphore, #tpu.memory_space<semaphore_mem>>)
      %mul3A_534 = arith.constant 40 : i32
      %mul3A_535 = arith.muli %add3A_526, %mul3A_534 : i32
      %add3A_536 = arith.addi %mul3A_0, %mul3A_535 : i32
      %dma_start3A_537 = tpu.memref_slice %arg2[%add3A_536, %mul3A_2] : memref<160000x256xf32, #tpu.memory_space<hbm>> -> memref<40x128xf32, #tpu.memory_space<hbm>>
      %dma_start3A_538 = tpu.memref_slice %arg2[%add3A_536, %mul3A_2] : memref<160000x256xf32, #tpu.memory_space<hbm>> -> memref<40x128xf32, #tpu.memory_space<hbm>>
      tpu.enqueue_dma source(%dma_start3A_538 : memref<40x128xf32, #tpu.memory_space<hbm>>) target(%arg20 : memref<40x128xf32, #tpu.memory_space<vmem>>) target_semaphore(%arg37 : memref<!tpu.dma_semaphore, #tpu.memory_space<semaphore_mem>>)
      %mul3A_539 = arith.constant 8 : i32
      %mul3A_540 = arith.muli %mul3A_539, %scan3A_272 : i32
      %add3A_541 = arith.constant 4 : i32
      %add3A_542 = arith.addi %mul3A_540, %add3A_541 : i32
      %add3A_543 = arith.constant 7 : i32
      %add3A_544 = arith.addi %add3A_542, %add3A_543 : i32
      %add3A_545 = arith.constant 160000 : i32
      %add3A_546 = arith.addi %add3A_545, %mul3A_0 : i32
      %mul3A_547 = arith.constant 40 : i32
      %mul3A_548 = arith.muli %add3A_544, %mul3A_547 : i32
      %add3A_549 = arith.addi %add3A_546, %mul3A_548 : i32
      %dma_wait3A_550 = tpu.memref_slice %arg3[%add3A_549] : memref<320000xi32, #tpu.memory_space<hbm>> -> memref<40xi32, #tpu.memory_space<hbm>>
      %dma_wait3A_551 = tpu.memref_slice %arg3[%add3A_549] : memref<320000xi32, #tpu.memory_space<hbm>> -> memref<40xi32, #tpu.memory_space<hbm>>
      tpu.wait_dma2 semaphore(%arg26 : memref<!tpu.dma_semaphore, #tpu.memory_space<semaphore_mem>>) src(%dma_wait3A_551 : memref<40xi32, #tpu.memory_space<hbm>>) dst(%arg9 : memref<40xi32, #tpu.memory_space<vmem>>)
      %mul3A_552 = arith.constant 40 : i32
      %mul3A_553 = arith.muli %add3A_544, %mul3A_552 : i32
      %add3A_554 = arith.addi %mul3A_0, %mul3A_553 : i32
      %dma_wait3A_555 = tpu.memref_slice %arg2[%add3A_554, %mul3A_2] : memref<160000x256xf32, #tpu.memory_space<hbm>> -> memref<40x128xf32, #tpu.memory_space<hbm>>
      %dma_wait3A_556 = tpu.memref_slice %arg2[%add3A_554, %mul3A_2] : memref<160000x256xf32, #tpu.memory_space<hbm>> -> memref<40x128xf32, #tpu.memory_space<hbm>>
      tpu.wait_dma2 semaphore(%arg34 : memref<!tpu.dma_semaphore, #tpu.memory_space<semaphore_mem>>) src(%dma_wait3A_556 : memref<40x128xf32, #tpu.memory_space<hbm>>) dst(%arg17 : memref<40x128xf32, #tpu.memory_space<vmem>>)
      %dma_wait3A_557 = arith.constant 0 : i32
      %dma_wait3A_558 = arith.constant 0 : i32
      %dma_wait3A_559 = tpu.memref_slice %arg22[%dma_wait3A_557, %dma_wait3A_558] : memref<10112x128xf32, #tpu.memory_space<vmem_shared>> -> memref<10112x128xf32, #tpu.memory_space<vmem_shared>>
      tpu.wait_indirect_dma semaphore(%arg46 : memref<!tpu.dma_semaphore, #tpu.memory_space<semaphore_mem>>) src(%arg21 : memref<40x128xf32, #tpu.memory_space<vmem>>) dst(%dma_wait3A_559 : memref<10112x128xf32, #tpu.memory_space<vmem_shared>>)
      %dma_start3A_560 = arith.constant 0 : i32
      %dma_start3A_561 = arith.constant 0 : i32
      %dma_start3A_562 = tpu.memref_slice %arg22[%dma_start3A_560, %dma_start3A_561] : memref<10112x128xf32, #tpu.memory_space<vmem_shared>> -> memref<10112x128xf32, #tpu.memory_space<vmem_shared>>
      tpu.enqueue_indirect_dma source(%arg17 : memref<40x128xf32, #tpu.memory_space<vmem>>) target(%dma_start3A_562 : memref<10112x128xf32, #tpu.memory_space<vmem_shared>>) offsets(%arg9 : memref<40xi32, #tpu.memory_space<vmem>>) semaphore(%arg42 : memref<!tpu.dma_semaphore, #tpu.memory_space<semaphore_mem>>) {add = true}
      %add3A_563 = arith.constant 4 : i32
      %add3A_564 = arith.addi %add3A_544, %add3A_563 : i32
      %add3A_565 = arith.constant 160000 : i32
      %add3A_566 = arith.addi %add3A_565, %mul3A_0 : i32
      %mul3A_567 = arith.constant 40 : i32
      %mul3A_568 = arith.muli %add3A_564, %mul3A_567 : i32
      %add3A_569 = arith.addi %add3A_566, %mul3A_568 : i32
      %dma_start3A_570 = tpu.memref_slice %arg3[%add3A_569] : memref<320000xi32, #tpu.memory_space<hbm>> -> memref<40xi32, #tpu.memory_space<hbm>>
      %dma_start3A_571 = tpu.memref_slice %arg3[%add3A_569] : memref<320000xi32, #tpu.memory_space<hbm>> -> memref<40xi32, #tpu.memory_space<hbm>>
      tpu.enqueue_dma source(%dma_start3A_571 : memref<40xi32, #tpu.memory_space<hbm>>) target(%arg13 : memref<40xi32, #tpu.memory_space<vmem>>) target_semaphore(%arg30 : memref<!tpu.dma_semaphore, #tpu.memory_space<semaphore_mem>>)
      %mul3A_572 = arith.constant 40 : i32
      %mul3A_573 = arith.muli %add3A_564, %mul3A_572 : i32
      %add3A_574 = arith.addi %mul3A_0, %mul3A_573 : i32
      %dma_start3A_575 = tpu.memref_slice %arg2[%add3A_574, %mul3A_2] : memref<160000x256xf32, #tpu.memory_space<hbm>> -> memref<40x128xf32, #tpu.memory_space<hbm>>
      %dma_start3A_576 = tpu.memref_slice %arg2[%add3A_574, %mul3A_2] : memref<160000x256xf32, #tpu.memory_space<hbm>> -> memref<40x128xf32, #tpu.memory_space<hbm>>
      tpu.enqueue_dma source(%dma_start3A_576 : memref<40x128xf32, #tpu.memory_space<hbm>>) target(%arg21 : memref<40x128xf32, #tpu.memory_space<vmem>>) target_semaphore(%arg38 : memref<!tpu.dma_semaphore, #tpu.memory_space<semaphore_mem>>)
    }
    %scan3A_138 = arith.constant 30 : i32
    %add3A_139 = arith.constant 160000 : i32
    %add3A_140 = arith.addi %add3A_139, %mul3A_0 : i32
    %add3A_141 = arith.constant 9760 : i32
    %add3A_142 = arith.addi %add3A_140, %add3A_141 : i32
    %dma_wait3A_143 = tpu.memref_slice %arg3[%add3A_142] : memref<320000xi32, #tpu.memory_space<hbm>> -> memref<40xi32, #tpu.memory_space<hbm>>
    %dma_wait3A_144 = tpu.memref_slice %arg3[%add3A_142] : memref<320000xi32, #tpu.memory_space<hbm>> -> memref<40xi32, #tpu.memory_space<hbm>>
    tpu.wait_dma2 semaphore(%arg27 : memref<!tpu.dma_semaphore, #tpu.memory_space<semaphore_mem>>) src(%dma_wait3A_144 : memref<40xi32, #tpu.memory_space<hbm>>) dst(%arg10 : memref<40xi32, #tpu.memory_space<vmem>>)
    %add3A_145 = arith.constant 9760 : i32
    %add3A_146 = arith.addi %mul3A_0, %add3A_145 : i32
    %dma_wait3A_147 = tpu.memref_slice %arg2[%add3A_146, %mul3A_2] : memref<160000x256xf32, #tpu.memory_space<hbm>> -> memref<40x128xf32, #tpu.memory_space<hbm>>
    %dma_wait3A_148 = tpu.memref_slice %arg2[%add3A_146, %mul3A_2] : memref<160000x256xf32, #tpu.memory_space<hbm>> -> memref<40x128xf32, #tpu.memory_space<hbm>>
    tpu.wait_dma2 semaphore(%arg35 : memref<!tpu.dma_semaphore, #tpu.memory_space<semaphore_mem>>) src(%dma_wait3A_148 : memref<40x128xf32, #tpu.memory_space<hbm>>) dst(%arg18 : memref<40x128xf32, #tpu.memory_space<vmem>>)
    %dma_wait3A_149 = arith.constant 0 : i32
    %dma_wait3A_150 = arith.constant 0 : i32
    %dma_wait3A_151 = tpu.memref_slice %arg22[%dma_wait3A_149, %dma_wait3A_150] : memref<10112x128xf32, #tpu.memory_space<vmem_shared>> -> memref<10112x128xf32, #tpu.memory_space<vmem_shared>>
    tpu.wait_indirect_dma semaphore(%arg39 : memref<!tpu.dma_semaphore, #tpu.memory_space<semaphore_mem>>) src(%arg14 : memref<40x128xf32, #tpu.memory_space<vmem>>) dst(%dma_wait3A_151 : memref<10112x128xf32, #tpu.memory_space<vmem_shared>>)
    %dma_start3A_152 = arith.constant 0 : i32
    %dma_start3A_153 = arith.constant 0 : i32
    %dma_start3A_154 = tpu.memref_slice %arg22[%dma_start3A_152, %dma_start3A_153] : memref<10112x128xf32, #tpu.memory_space<vmem_shared>> -> memref<10112x128xf32, #tpu.memory_space<vmem_shared>>
    tpu.enqueue_indirect_dma source(%arg18 : memref<40x128xf32, #tpu.memory_space<vmem>>) target(%dma_start3A_154 : memref<10112x128xf32, #tpu.memory_space<vmem_shared>>) offsets(%arg10 : memref<40xi32, #tpu.memory_space<vmem>>) semaphore(%arg43 : memref<!tpu.dma_semaphore, #tpu.memory_space<semaphore_mem>>) {add = true}
    %add3A_155 = arith.constant 160000 : i32
    %add3A_156 = arith.addi %add3A_155, %mul3A_0 : i32
    %add3A_157 = arith.constant 9920 : i32
    %add3A_158 = arith.addi %add3A_156, %add3A_157 : i32
    %dma_start3A_159 = tpu.memref_slice %arg3[%add3A_158] : memref<320000xi32, #tpu.memory_space<hbm>> -> memref<40xi32, #tpu.memory_space<hbm>>
    %dma_start3A_160 = tpu.memref_slice %arg3[%add3A_158] : memref<320000xi32, #tpu.memory_space<hbm>> -> memref<40xi32, #tpu.memory_space<hbm>>
    tpu.enqueue_dma source(%dma_start3A_160 : memref<40xi32, #tpu.memory_space<hbm>>) target(%arg6 : memref<40xi32, #tpu.memory_space<vmem>>) target_semaphore(%arg23 : memref<!tpu.dma_semaphore, #tpu.memory_space<semaphore_mem>>)
    %add3A_161 = arith.constant 9920 : i32
    %add3A_162 = arith.addi %mul3A_0, %add3A_161 : i32
    %dma_start3A_163 = tpu.memref_slice %arg2[%add3A_162, %mul3A_2] : memref<160000x256xf32, #tpu.memory_space<hbm>> -> memref<40x128xf32, #tpu.memory_space<hbm>>
    %dma_start3A_164 = tpu.memref_slice %arg2[%add3A_162, %mul3A_2] : memref<160000x256xf32, #tpu.memory_space<hbm>> -> memref<40x128xf32, #tpu.memory_space<hbm>>
    tpu.enqueue_dma source(%dma_start3A_164 : memref<40x128xf32, #tpu.memory_space<hbm>>) target(%arg14 : memref<40x128xf32, #tpu.memory_space<vmem>>) target_semaphore(%arg31 : memref<!tpu.dma_semaphore, #tpu.memory_space<semaphore_mem>>)
    %add3A_165 = arith.constant 160000 : i32
    %add3A_166 = arith.addi %add3A_165, %mul3A_0 : i32
    %add3A_167 = arith.constant 9800 : i32
    %add3A_168 = arith.addi %add3A_166, %add3A_167 : i32
    %dma_wait3A_169 = tpu.memref_slice %arg3[%add3A_168] : memref<320000xi32, #tpu.memory_space<hbm>> -> memref<40xi32, #tpu.memory_space<hbm>>
    %dma_wait3A_170 = tpu.memref_slice %arg3[%add3A_168] : memref<320000xi32, #tpu.memory_space<hbm>> -> memref<40xi32, #tpu.memory_space<hbm>>
    tpu.wait_dma2 semaphore(%arg28 : memref<!tpu.dma_semaphore, #tpu.memory_space<semaphore_mem>>) src(%dma_wait3A_170 : memref<40xi32, #tpu.memory_space<hbm>>) dst(%arg11 : memref<40xi32, #tpu.memory_space<vmem>>)
    %add3A_171 = arith.constant 9800 : i32
    %add3A_172 = arith.addi %mul3A_0, %add3A_171 : i32
    %dma_wait3A_173 = tpu.memref_slice %arg2[%add3A_172, %mul3A_2] : memref<160000x256xf32, #tpu.memory_space<hbm>> -> memref<40x128xf32, #tpu.memory_space<hbm>>
    %dma_wait3A_174 = tpu.memref_slice %arg2[%add3A_172, %mul3A_2] : memref<160000x256xf32, #tpu.memory_space<hbm>> -> memref<40x128xf32, #tpu.memory_space<hbm>>
    tpu.wait_dma2 semaphore(%arg36 : memref<!tpu.dma_semaphore, #tpu.memory_space<semaphore_mem>>) src(%dma_wait3A_174 : memref<40x128xf32, #tpu.memory_space<hbm>>) dst(%arg19 : memref<40x128xf32, #tpu.memory_space<vmem>>)
    %dma_wait3A_175 = arith.constant 0 : i32
    %dma_wait3A_176 = arith.constant 0 : i32
    %dma_wait3A_177 = tpu.memref_slice %arg22[%dma_wait3A_175, %dma_wait3A_176] : memref<10112x128xf32, #tpu.memory_space<vmem_shared>> -> memref<10112x128xf32, #tpu.memory_space<vmem_shared>>
    tpu.wait_indirect_dma semaphore(%arg40 : memref<!tpu.dma_semaphore, #tpu.memory_space<semaphore_mem>>) src(%arg15 : memref<40x128xf32, #tpu.memory_space<vmem>>) dst(%dma_wait3A_177 : memref<10112x128xf32, #tpu.memory_space<vmem_shared>>)
    %dma_start3A_178 = arith.constant 0 : i32
    %dma_start3A_179 = arith.constant 0 : i32
    %dma_start3A_180 = tpu.memref_slice %arg22[%dma_start3A_178, %dma_start3A_179] : memref<10112x128xf32, #tpu.memory_space<vmem_shared>> -> memref<10112x128xf32, #tpu.memory_space<vmem_shared>>
    tpu.enqueue_indirect_dma source(%arg19 : memref<40x128xf32, #tpu.memory_space<vmem>>) target(%dma_start3A_180 : memref<10112x128xf32, #tpu.memory_space<vmem_shared>>) offsets(%arg11 : memref<40xi32, #tpu.memory_space<vmem>>) semaphore(%arg44 : memref<!tpu.dma_semaphore, #tpu.memory_space<semaphore_mem>>) {add = true}
    %add3A_181 = arith.constant 160000 : i32
    %add3A_182 = arith.addi %add3A_181, %mul3A_0 : i32
    %add3A_183 = arith.constant 9960 : i32
    %add3A_184 = arith.addi %add3A_182, %add3A_183 : i32
    %dma_start3A_185 = tpu.memref_slice %arg3[%add3A_184] : memref<320000xi32, #tpu.memory_space<hbm>> -> memref<40xi32, #tpu.memory_space<hbm>>
    %dma_start3A_186 = tpu.memref_slice %arg3[%add3A_184] : memref<320000xi32, #tpu.memory_space<hbm>> -> memref<40xi32, #tpu.memory_space<hbm>>
    tpu.enqueue_dma source(%dma_start3A_186 : memref<40xi32, #tpu.memory_space<hbm>>) target(%arg7 : memref<40xi32, #tpu.memory_space<vmem>>) target_semaphore(%arg24 : memref<!tpu.dma_semaphore, #tpu.memory_space<semaphore_mem>>)
    %add3A_187 = arith.constant 9960 : i32
    %add3A_188 = arith.addi %mul3A_0, %add3A_187 : i32
    %dma_start3A_189 = tpu.memref_slice %arg2[%add3A_188, %mul3A_2] : memref<160000x256xf32, #tpu.memory_space<hbm>> -> memref<40x128xf32, #tpu.memory_space<hbm>>
    %dma_start3A_190 = tpu.memref_slice %arg2[%add3A_188, %mul3A_2] : memref<160000x256xf32, #tpu.memory_space<hbm>> -> memref<40x128xf32, #tpu.memory_space<hbm>>
    tpu.enqueue_dma source(%dma_start3A_190 : memref<40x128xf32, #tpu.memory_space<hbm>>) target(%arg15 : memref<40x128xf32, #tpu.memory_space<vmem>>) target_semaphore(%arg32 : memref<!tpu.dma_semaphore, #tpu.memory_space<semaphore_mem>>)
    %add3A_191 = arith.constant 160000 : i32
    %add3A_192 = arith.addi %add3A_191, %mul3A_0 : i32
    %add3A_193 = arith.constant 9840 : i32
    %add3A_194 = arith.addi %add3A_192, %add3A_193 : i32
    %dma_wait3A_195 = tpu.memref_slice %arg3[%add3A_194] : memref<320000xi32, #tpu.memory_space<hbm>> -> memref<40xi32, #tpu.memory_space<hbm>>
    %dma_wait3A_196 = tpu.memref_slice %arg3[%add3A_194] : memref<320000xi32, #tpu.memory_space<hbm>> -> memref<40xi32, #tpu.memory_space<hbm>>
    tpu.wait_dma2 semaphore(%arg29 : memref<!tpu.dma_semaphore, #tpu.memory_space<semaphore_mem>>) src(%dma_wait3A_196 : memref<40xi32, #tpu.memory_space<hbm>>) dst(%arg12 : memref<40xi32, #tpu.memory_space<vmem>>)
    %add3A_197 = arith.constant 9840 : i32
    %add3A_198 = arith.addi %mul3A_0, %add3A_197 : i32
    %dma_wait3A_199 = tpu.memref_slice %arg2[%add3A_198, %mul3A_2] : memref<160000x256xf32, #tpu.memory_space<hbm>> -> memref<40x128xf32, #tpu.memory_space<hbm>>
    %dma_wait3A_200 = tpu.memref_slice %arg2[%add3A_198, %mul3A_2] : memref<160000x256xf32, #tpu.memory_space<hbm>> -> memref<40x128xf32, #tpu.memory_space<hbm>>
    tpu.wait_dma2 semaphore(%arg37 : memref<!tpu.dma_semaphore, #tpu.memory_space<semaphore_mem>>) src(%dma_wait3A_200 : memref<40x128xf32, #tpu.memory_space<hbm>>) dst(%arg20 : memref<40x128xf32, #tpu.memory_space<vmem>>)
    %dma_wait3A_201 = arith.constant 0 : i32
    %dma_wait3A_202 = arith.constant 0 : i32
    %dma_wait3A_203 = tpu.memref_slice %arg22[%dma_wait3A_201, %dma_wait3A_202] : memref<10112x128xf32, #tpu.memory_space<vmem_shared>> -> memref<10112x128xf32, #tpu.memory_space<vmem_shared>>
    tpu.wait_indirect_dma semaphore(%arg41 : memref<!tpu.dma_semaphore, #tpu.memory_space<semaphore_mem>>) src(%arg16 : memref<40x128xf32, #tpu.memory_space<vmem>>) dst(%dma_wait3A_203 : memref<10112x128xf32, #tpu.memory_space<vmem_shared>>)
    %dma_start3A_204 = arith.constant 0 : i32
    %dma_start3A_205 = arith.constant 0 : i32
    %dma_start3A_206 = tpu.memref_slice %arg22[%dma_start3A_204, %dma_start3A_205] : memref<10112x128xf32, #tpu.memory_space<vmem_shared>> -> memref<10112x128xf32, #tpu.memory_space<vmem_shared>>
    tpu.enqueue_indirect_dma source(%arg20 : memref<40x128xf32, #tpu.memory_space<vmem>>) target(%dma_start3A_206 : memref<10112x128xf32, #tpu.memory_space<vmem_shared>>) offsets(%arg12 : memref<40xi32, #tpu.memory_space<vmem>>) semaphore(%arg45 : memref<!tpu.dma_semaphore, #tpu.memory_space<semaphore_mem>>) {add = true}
    %add3A_207 = arith.constant 160000 : i32
    %add3A_208 = arith.addi %add3A_207, %mul3A_0 : i32
    %add3A_209 = arith.constant 9880 : i32
    %add3A_210 = arith.addi %add3A_208, %add3A_209 : i32
    %dma_wait3A_211 = tpu.memref_slice %arg3[%add3A_210] : memref<320000xi32, #tpu.memory_space<hbm>> -> memref<40xi32, #tpu.memory_space<hbm>>
    %dma_wait3A_212 = tpu.memref_slice %arg3[%add3A_210] : memref<320000xi32, #tpu.memory_space<hbm>> -> memref<40xi32, #tpu.memory_space<hbm>>
    tpu.wait_dma2 semaphore(%arg30 : memref<!tpu.dma_semaphore, #tpu.memory_space<semaphore_mem>>) src(%dma_wait3A_212 : memref<40xi32, #tpu.memory_space<hbm>>) dst(%arg13 : memref<40xi32, #tpu.memory_space<vmem>>)
    %add3A_213 = arith.constant 9880 : i32
    %add3A_214 = arith.addi %mul3A_0, %add3A_213 : i32
    %dma_wait3A_215 = tpu.memref_slice %arg2[%add3A_214, %mul3A_2] : memref<160000x256xf32, #tpu.memory_space<hbm>> -> memref<40x128xf32, #tpu.memory_space<hbm>>
    %dma_wait3A_216 = tpu.memref_slice %arg2[%add3A_214, %mul3A_2] : memref<160000x256xf32, #tpu.memory_space<hbm>> -> memref<40x128xf32, #tpu.memory_space<hbm>>
    tpu.wait_dma2 semaphore(%arg38 : memref<!tpu.dma_semaphore, #tpu.memory_space<semaphore_mem>>) src(%dma_wait3A_216 : memref<40x128xf32, #tpu.memory_space<hbm>>) dst(%arg21 : memref<40x128xf32, #tpu.memory_space<vmem>>)
    %dma_wait3A_217 = arith.constant 0 : i32
    %dma_wait3A_218 = arith.constant 0 : i32
    %dma_wait3A_219 = tpu.memref_slice %arg22[%dma_wait3A_217, %dma_wait3A_218] : memref<10112x128xf32, #tpu.memory_space<vmem_shared>> -> memref<10112x128xf32, #tpu.memory_space<vmem_shared>>
    tpu.wait_indirect_dma semaphore(%arg42 : memref<!tpu.dma_semaphore, #tpu.memory_space<semaphore_mem>>) src(%arg17 : memref<40x128xf32, #tpu.memory_space<vmem>>) dst(%dma_wait3A_219 : memref<10112x128xf32, #tpu.memory_space<vmem_shared>>)
    %dma_start3A_220 = arith.constant 0 : i32
    %dma_start3A_221 = arith.constant 0 : i32
    %dma_start3A_222 = tpu.memref_slice %arg22[%dma_start3A_220, %dma_start3A_221] : memref<10112x128xf32, #tpu.memory_space<vmem_shared>> -> memref<10112x128xf32, #tpu.memory_space<vmem_shared>>
    tpu.enqueue_indirect_dma source(%arg21 : memref<40x128xf32, #tpu.memory_space<vmem>>) target(%dma_start3A_222 : memref<10112x128xf32, #tpu.memory_space<vmem_shared>>) offsets(%arg13 : memref<40xi32, #tpu.memory_space<vmem>>) semaphore(%arg46 : memref<!tpu.dma_semaphore, #tpu.memory_space<semaphore_mem>>) {add = true}
    %add3A_223 = arith.constant 160000 : i32
    %add3A_224 = arith.addi %add3A_223, %mul3A_0 : i32
    %add3A_225 = arith.constant 9920 : i32
    %add3A_226 = arith.addi %add3A_224, %add3A_225 : i32
    %dma_wait3A_227 = tpu.memref_slice %arg3[%add3A_226] : memref<320000xi32, #tpu.memory_space<hbm>> -> memref<40xi32, #tpu.memory_space<hbm>>
    %dma_wait3A_228 = tpu.memref_slice %arg3[%add3A_226] : memref<320000xi32, #tpu.memory_space<hbm>> -> memref<40xi32, #tpu.memory_space<hbm>>
    tpu.wait_dma2 semaphore(%arg23 : memref<!tpu.dma_semaphore, #tpu.memory_space<semaphore_mem>>) src(%dma_wait3A_228 : memref<40xi32, #tpu.memory_space<hbm>>) dst(%arg6 : memref<40xi32, #tpu.memory_space<vmem>>)
    %add3A_229 = arith.constant 9920 : i32
    %add3A_230 = arith.addi %mul3A_0, %add3A_229 : i32
    %dma_wait3A_231 = tpu.memref_slice %arg2[%add3A_230, %mul3A_2] : memref<160000x256xf32, #tpu.memory_space<hbm>> -> memref<40x128xf32, #tpu.memory_space<hbm>>
    %dma_wait3A_232 = tpu.memref_slice %arg2[%add3A_230, %mul3A_2] : memref<160000x256xf32, #tpu.memory_space<hbm>> -> memref<40x128xf32, #tpu.memory_space<hbm>>
    tpu.wait_dma2 semaphore(%arg31 : memref<!tpu.dma_semaphore, #tpu.memory_space<semaphore_mem>>) src(%dma_wait3A_232 : memref<40x128xf32, #tpu.memory_space<hbm>>) dst(%arg14 : memref<40x128xf32, #tpu.memory_space<vmem>>)
    %dma_wait3A_233 = arith.constant 0 : i32
    %dma_wait3A_234 = arith.constant 0 : i32
    %dma_wait3A_235 = tpu.memref_slice %arg22[%dma_wait3A_233, %dma_wait3A_234] : memref<10112x128xf32, #tpu.memory_space<vmem_shared>> -> memref<10112x128xf32, #tpu.memory_space<vmem_shared>>
    tpu.wait_indirect_dma semaphore(%arg43 : memref<!tpu.dma_semaphore, #tpu.memory_space<semaphore_mem>>) src(%arg18 : memref<40x128xf32, #tpu.memory_space<vmem>>) dst(%dma_wait3A_235 : memref<10112x128xf32, #tpu.memory_space<vmem_shared>>)
    %dma_start3A_236 = arith.constant 0 : i32
    %dma_start3A_237 = arith.constant 0 : i32
    %dma_start3A_238 = tpu.memref_slice %arg22[%dma_start3A_236, %dma_start3A_237] : memref<10112x128xf32, #tpu.memory_space<vmem_shared>> -> memref<10112x128xf32, #tpu.memory_space<vmem_shared>>
    tpu.enqueue_indirect_dma source(%arg14 : memref<40x128xf32, #tpu.memory_space<vmem>>) target(%dma_start3A_238 : memref<10112x128xf32, #tpu.memory_space<vmem_shared>>) offsets(%arg6 : memref<40xi32, #tpu.memory_space<vmem>>) semaphore(%arg39 : memref<!tpu.dma_semaphore, #tpu.memory_space<semaphore_mem>>) {add = true}
    %add3A_239 = arith.constant 160000 : i32
    %add3A_240 = arith.addi %add3A_239, %mul3A_0 : i32
    %add3A_241 = arith.constant 9960 : i32
    %add3A_242 = arith.addi %add3A_240, %add3A_241 : i32
    %dma_wait3A_243 = tpu.memref_slice %arg3[%add3A_242] : memref<320000xi32, #tpu.memory_space<hbm>> -> memref<40xi32, #tpu.memory_space<hbm>>
    %dma_wait3A_244 = tpu.memref_slice %arg3[%add3A_242] : memref<320000xi32, #tpu.memory_space<hbm>> -> memref<40xi32, #tpu.memory_space<hbm>>
    tpu.wait_dma2 semaphore(%arg24 : memref<!tpu.dma_semaphore, #tpu.memory_space<semaphore_mem>>) src(%dma_wait3A_244 : memref<40xi32, #tpu.memory_space<hbm>>) dst(%arg7 : memref<40xi32, #tpu.memory_space<vmem>>)
    %add3A_245 = arith.constant 9960 : i32
    %add3A_246 = arith.addi %mul3A_0, %add3A_245 : i32
    %dma_wait3A_247 = tpu.memref_slice %arg2[%add3A_246, %mul3A_2] : memref<160000x256xf32, #tpu.memory_space<hbm>> -> memref<40x128xf32, #tpu.memory_space<hbm>>
    %dma_wait3A_248 = tpu.memref_slice %arg2[%add3A_246, %mul3A_2] : memref<160000x256xf32, #tpu.memory_space<hbm>> -> memref<40x128xf32, #tpu.memory_space<hbm>>
    tpu.wait_dma2 semaphore(%arg32 : memref<!tpu.dma_semaphore, #tpu.memory_space<semaphore_mem>>) src(%dma_wait3A_248 : memref<40x128xf32, #tpu.memory_space<hbm>>) dst(%arg15 : memref<40x128xf32, #tpu.memory_space<vmem>>)
    %dma_wait3A_249 = arith.constant 0 : i32
    %dma_wait3A_250 = arith.constant 0 : i32
    %dma_wait3A_251 = tpu.memref_slice %arg22[%dma_wait3A_249, %dma_wait3A_250] : memref<10112x128xf32, #tpu.memory_space<vmem_shared>> -> memref<10112x128xf32, #tpu.memory_space<vmem_shared>>
    tpu.wait_indirect_dma semaphore(%arg44 : memref<!tpu.dma_semaphore, #tpu.memory_space<semaphore_mem>>) src(%arg19 : memref<40x128xf32, #tpu.memory_space<vmem>>) dst(%dma_wait3A_251 : memref<10112x128xf32, #tpu.memory_space<vmem_shared>>)
    %dma_start3A_252 = arith.constant 0 : i32
    %dma_start3A_253 = arith.constant 0 : i32
    %dma_start3A_254 = tpu.memref_slice %arg22[%dma_start3A_252, %dma_start3A_253] : memref<10112x128xf32, #tpu.memory_space<vmem_shared>> -> memref<10112x128xf32, #tpu.memory_space<vmem_shared>>
    tpu.enqueue_indirect_dma source(%arg15 : memref<40x128xf32, #tpu.memory_space<vmem>>) target(%dma_start3A_254 : memref<10112x128xf32, #tpu.memory_space<vmem_shared>>) offsets(%arg7 : memref<40xi32, #tpu.memory_space<vmem>>) semaphore(%arg40 : memref<!tpu.dma_semaphore, #tpu.memory_space<semaphore_mem>>) {add = true}
    %dma_wait3A_255 = arith.constant 0 : i32
    %dma_wait3A_256 = arith.constant 0 : i32
    %dma_wait3A_257 = tpu.memref_slice %arg22[%dma_wait3A_255, %dma_wait3A_256] : memref<10112x128xf32, #tpu.memory_space<vmem_shared>> -> memref<10112x128xf32, #tpu.memory_space<vmem_shared>>
    tpu.wait_indirect_dma semaphore(%arg45 : memref<!tpu.dma_semaphore, #tpu.memory_space<semaphore_mem>>) src(%arg20 : memref<40x128xf32, #tpu.memory_space<vmem>>) dst(%dma_wait3A_257 : memref<10112x128xf32, #tpu.memory_space<vmem_shared>>)
    %dma_wait3A_258 = arith.constant 0 : i32
    %dma_wait3A_259 = arith.constant 0 : i32
    %dma_wait3A_260 = tpu.memref_slice %arg22[%dma_wait3A_258, %dma_wait3A_259] : memref<10112x128xf32, #tpu.memory_space<vmem_shared>> -> memref<10112x128xf32, #tpu.memory_space<vmem_shared>>
    tpu.wait_indirect_dma semaphore(%arg46 : memref<!tpu.dma_semaphore, #tpu.memory_space<semaphore_mem>>) src(%arg21 : memref<40x128xf32, #tpu.memory_space<vmem>>) dst(%dma_wait3A_260 : memref<10112x128xf32, #tpu.memory_space<vmem_shared>>)
    %dma_wait3A_261 = arith.constant 0 : i32
    %dma_wait3A_262 = arith.constant 0 : i32
    %dma_wait3A_263 = tpu.memref_slice %arg22[%dma_wait3A_261, %dma_wait3A_262] : memref<10112x128xf32, #tpu.memory_space<vmem_shared>> -> memref<10112x128xf32, #tpu.memory_space<vmem_shared>>
    tpu.wait_indirect_dma semaphore(%arg39 : memref<!tpu.dma_semaphore, #tpu.memory_space<semaphore_mem>>) src(%arg14 : memref<40x128xf32, #tpu.memory_space<vmem>>) dst(%dma_wait3A_263 : memref<10112x128xf32, #tpu.memory_space<vmem_shared>>)
    %dma_wait3A_264 = arith.constant 0 : i32
    %dma_wait3A_265 = arith.constant 0 : i32
    %dma_wait3A_266 = tpu.memref_slice %arg22[%dma_wait3A_264, %dma_wait3A_265] : memref<10112x128xf32, #tpu.memory_space<vmem_shared>> -> memref<10112x128xf32, #tpu.memory_space<vmem_shared>>
    tpu.wait_indirect_dma semaphore(%arg40 : memref<!tpu.dma_semaphore, #tpu.memory_space<semaphore_mem>>) src(%arg15 : memref<40x128xf32, #tpu.memory_space<vmem>>) dst(%dma_wait3A_266 : memref<10112x128xf32, #tpu.memory_space<vmem_shared>>)
    %barrier3A_267 = arith.constant 0 : index
    tpu.barrier barrier_id(%barrier3A_267)
    %mul3A_268 = arith.constant 632 : i32
    %mul3A_269 = arith.muli %arg1, %mul3A_268 : i32
    %mul3A_270 = arith.constant 632 : i32
    %mul3A_271 = arith.muli %arg1, %mul3A_270 : i32
    "tpu.region"() ({
      %run_scoped3A = tpu.sem_alloc : memref<!tpu.dma_semaphore, #tpu.memory_space<semaphore_mem>>
      %dma_start3A_272 = tpu.memref_slice %arg5[%mul3A_271, %mul3A_2] : memref<10112x256xf32, #tpu.memory_space<hbm>> -> memref<632x128xf32, #tpu.memory_space<hbm>>
      %dma_start3A_273 = arith.constant 0 : i32
      %dma_start3A_274 = tpu.memref_slice %arg22[%mul3A_269, %dma_start3A_273] : memref<10112x128xf32, #tpu.memory_space<vmem_shared>> -> memref<632x128xf32, #tpu.memory_space<vmem_shared>>
      tpu.enqueue_dma source(%dma_start3A_274 : memref<632x128xf32, #tpu.memory_space<vmem_shared>>) target(%dma_start3A_272 : memref<632x128xf32, #tpu.memory_space<hbm>>) target_semaphore(%run_scoped3A : memref<!tpu.dma_semaphore, #tpu.memory_space<semaphore_mem>>)
      %dma_wait3A_275 = tpu.memref_slice %arg5[%mul3A_271, %mul3A_2] : memref<10112x256xf32, #tpu.memory_space<hbm>> -> memref<632x128xf32, #tpu.memory_space<hbm>>
      %dma_wait3A_276 = arith.constant 0 : i32
      %dma_wait3A_277 = tpu.memref_slice %arg22[%mul3A_269, %dma_wait3A_276] : memref<10112x128xf32, #tpu.memory_space<vmem_shared>> -> memref<632x128xf32, #tpu.memory_space<vmem_shared>>
      tpu.wait_dma2 semaphore(%run_scoped3A : memref<!tpu.dma_semaphore, #tpu.memory_space<semaphore_mem>>) src(%dma_wait3A_277 : memref<632x128xf32, #tpu.memory_space<vmem_shared>>) dst(%dma_wait3A_275 : memref<632x128xf32, #tpu.memory_space<hbm>>)
      tpu.yield
    }) : () -> ()
    return
  }
}

module attributes {stable_mosaic.version = 14 : i64} {
  func.func @_mlp1_body(%arg0: i32, %arg1: memref<2000x256xf32, #tpu.memory_space<vmem>>, %arg2: memref<256x512xbf16, #tpu.memory_space<vmem>>, %arg3: memref<256x512xbf16, #tpu.memory_space<vmem>>, %arg4: memref<1x512xf32, #tpu.memory_space<vmem>>, %arg5: memref<2000x512xf32, #tpu.memory_space<vmem>>) attributes {dimension_semantics = [#tpu.dimension_semantics<arbitrary>], iteration_bounds = array<i64: 5>, scalar_prefetch = 0 : i64, scratch_operands = 0 : i64, tpu.core_type = #tpu.core_type<tc>, window_params = [{transform_indices = @transform_0, window_bounds = array<i64: 2000, 256>}, {pipeline_mode = #tpu.pipeline_mode<synchronous>, transform_indices = @transform_1, window_bounds = array<i64: 256, 512>}, {pipeline_mode = #tpu.pipeline_mode<synchronous>, transform_indices = @transform_2, window_bounds = array<i64: 256, 512>}, {pipeline_mode = #tpu.pipeline_mode<synchronous>, transform_indices = @transform_3, window_bounds = array<i64: 1, 512>}, {transform_indices = @transform_4, window_bounds = array<i64: 2000, 512>}]} {
    %get3A = arith.constant 0 : index
    %get3A_0 = arith.constant 0 : index
    %get3A_1 = vector.load %arg1[%get3A, %get3A_0] : memref<2000x256xf32, #tpu.memory_space<vmem>>, vector<2000x256xf32>
    %get3A_2 = arith.constant 0 : index
    %get3A_3 = arith.constant 0 : index
    %get3A_4 = vector.load %arg2[%get3A_2, %get3A_3] : memref<256x512xbf16, #tpu.memory_space<vmem>>, vector<256x512xbf16>
    %get3A_5 = arith.constant 0 : index
    %get3A_6 = arith.constant 0 : index
    %get3A_7 = vector.load %arg3[%get3A_5, %get3A_6] : memref<256x512xbf16, #tpu.memory_space<vmem>>, vector<256x512xbf16>
    %convert_element_type3A = arith.truncf %get3A_1 : vector<2000x256xf32> to vector<2000x256xbf16>
    %convert_element_type3A_8 = arith.extf %convert_element_type3A : vector<2000x256xbf16> to vector<2000x256xf32>
    %sub3A = arith.subf %get3A_1, %convert_element_type3A_8 : vector<2000x256xf32>
    %convert_element_type3A_9 = arith.truncf %sub3A : vector<2000x256xf32> to vector<2000x256xbf16>
    %dot_general3A = arith.constant dense<0.000000e+00> : vector<2000x512xf32>
    %dot_general3A_10 = tpu.matmul %convert_element_type3A, %get3A_7, %dot_general3A {dimension_numbers = #tpu.dot_dimension_numbers<[1], [0], [0], [1], [0, 0, 1, 1], [], []>, transpose_lhs_hint = false} : vector<2000x256xbf16>, vector<256x512xbf16>, vector<2000x512xf32> -> vector<2000x512xf32>
    %dot_general3A_11 = arith.constant dense<0.000000e+00> : vector<2000x512xf32>
    %dot_general3A_12 = tpu.matmul %convert_element_type3A_9, %get3A_4, %dot_general3A_11 {dimension_numbers = #tpu.dot_dimension_numbers<[1], [0], [0], [1], [0, 0, 1, 1], [], []>, transpose_lhs_hint = false} : vector<2000x256xbf16>, vector<256x512xbf16>, vector<2000x512xf32> -> vector<2000x512xf32>
    %add3A = arith.addf %dot_general3A_10, %dot_general3A_12 : vector<2000x512xf32>
    %dot_general3A_13 = arith.constant dense<0.000000e+00> : vector<2000x512xf32>
    %dot_general3A_14 = tpu.matmul %convert_element_type3A, %get3A_4, %dot_general3A_13 {dimension_numbers = #tpu.dot_dimension_numbers<[1], [0], [0], [1], [0, 0, 1, 1], [], []>, transpose_lhs_hint = false} : vector<2000x256xbf16>, vector<256x512xbf16>, vector<2000x512xf32> -> vector<2000x512xf32>
    %add3A_15 = arith.addf %add3A, %dot_general3A_14 : vector<2000x512xf32>
    %get3A_16 = arith.constant 0 : index
    %get3A_17 = arith.constant 0 : index
    %get3A_18 = vector.load %arg4[%get3A_16, %get3A_17] : memref<1x512xf32, #tpu.memory_space<vmem>>, vector<1x512xf32>
    %add3A_19 = vector.broadcast %get3A_18 : vector<1x512xf32> to vector<2000x512xf32>
    %add3A_20 = arith.addf %add3A_15, %add3A_19 : vector<2000x512xf32>
    %swap3A = arith.constant 0 : index
    %swap3A_21 = arith.constant 0 : index
    %swap3A_22 = vector.load %arg5[%swap3A, %swap3A_21] : memref<2000x512xf32, #tpu.memory_space<vmem>>, vector<2000x512xf32>
    tpu.vector_store %arg5[%swap3A, %swap3A_21], %add3A_20 {strides = array<i32>} : memref<2000x512xf32, #tpu.memory_space<vmem>>, vector<2000x512xf32>,
    return
  }
  func.func @transform_0(%arg0: i32) -> (i32, i32) {
    %c0_i32 = arith.constant 0 : i32
    %c0_i32_0 = arith.constant 0 : i32
    return %arg0, %c0_i32 : i32, i32
  }
  func.func @transform_1(%arg0: i32) -> (i32, i32) {
    %c0_i32 = arith.constant 0 : i32
    %c0_i32_0 = arith.constant 0 : i32
    %c0_i32_1 = arith.constant 0 : i32
    return %c0_i32, %c0_i32_0 : i32, i32
  }
  func.func @transform_2(%arg0: i32) -> (i32, i32) {
    %c0_i32 = arith.constant 0 : i32
    %c0_i32_0 = arith.constant 0 : i32
    %c0_i32_1 = arith.constant 0 : i32
    return %c0_i32, %c0_i32_0 : i32, i32
  }
  func.func @transform_3(%arg0: i32) -> (i32, i32) {
    %c0_i32 = arith.constant 0 : i32
    %c0_i32_0 = arith.constant 0 : i32
    %c0_i32_1 = arith.constant 0 : i32
    return %c0_i32, %c0_i32_0 : i32, i32
  }
  func.func @transform_4(%arg0: i32) -> (i32, i32) {
    %c0_i32 = arith.constant 0 : i32
    %c0_i32_0 = arith.constant 0 : i32
    return %arg0, %c0_i32 : i32, i32
  }
}

module attributes {stable_mosaic.version = 14 : i64} {
  func.func @_mlp2_body(%arg0: i32, %arg1: memref<2000x512xf32, #tpu.memory_space<vmem>>, %arg2: memref<2000x256xf32, #tpu.memory_space<vmem>>, %arg3: memref<2000x256xf32, #tpu.memory_space<vmem>>, %arg4: memref<256x512xbf16, #tpu.memory_space<vmem>>, %arg5: memref<256x512xbf16, #tpu.memory_space<vmem>>, %arg6: memref<512x256xbf16, #tpu.memory_space<vmem>>, %arg7: memref<512x256xbf16, #tpu.memory_space<vmem>>, %arg8: memref<1x512xf32, #tpu.memory_space<vmem>>, %arg9: memref<1x512xf32, #tpu.memory_space<vmem>>, %arg10: memref<1x256xf32, #tpu.memory_space<vmem>>, %arg11: memref<2000x256xf32, #tpu.memory_space<vmem>>) attributes {dimension_semantics = [#tpu.dimension_semantics<arbitrary>], iteration_bounds = array<i64: 5>, scalar_prefetch = 0 : i64, scratch_operands = 0 : i64, tpu.core_type = #tpu.core_type<tc>, window_params = [{transform_indices = @transform_0, window_bounds = array<i64: 2000, 512>}, {transform_indices = @transform_1, window_bounds = array<i64: 2000, 256>}, {transform_indices = @transform_2, window_bounds = array<i64: 2000, 256>}, {pipeline_mode = #tpu.pipeline_mode<synchronous>, transform_indices = @transform_3, window_bounds = array<i64: 256, 512>}, {pipeline_mode = #tpu.pipeline_mode<synchronous>, transform_indices = @transform_4, window_bounds = array<i64: 256, 512>}, {pipeline_mode = #tpu.pipeline_mode<synchronous>, transform_indices = @transform_5, window_bounds = array<i64: 512, 256>}, {pipeline_mode = #tpu.pipeline_mode<synchronous>, transform_indices = @transform_6, window_bounds = array<i64: 512, 256>}, {pipeline_mode = #tpu.pipeline_mode<synchronous>, transform_indices = @transform_7, window_bounds = array<i64: 1, 512>}, {pipeline_mode = #tpu.pipeline_mode<synchronous>, transform_indices = @transform_8, window_bounds = array<i64: 1, 512>}, {pipeline_mode = #tpu.pipeline_mode<synchronous>, transform_indices = @transform_9, window_bounds = array<i64: 1, 256>}, {transform_indices = @transform_10, window_bounds = array<i64: 2000, 256>}]} {
    %get3A = arith.constant 0 : index
    %get3A_0 = arith.constant 0 : index
    %get3A_1 = vector.load %arg1[%get3A, %get3A_0] : memref<2000x512xf32, #tpu.memory_space<vmem>>, vector<2000x512xf32>
    %get3A_2 = arith.constant 0 : index
    %get3A_3 = arith.constant 0 : index
    %get3A_4 = vector.load %arg2[%get3A_2, %get3A_3] : memref<2000x256xf32, #tpu.memory_space<vmem>>, vector<2000x256xf32>
    %get3A_5 = arith.constant 0 : index
    %get3A_6 = arith.constant 0 : index
    %get3A_7 = vector.load %arg4[%get3A_5, %get3A_6] : memref<256x512xbf16, #tpu.memory_space<vmem>>, vector<256x512xbf16>
    %get3A_8 = arith.constant 0 : index
    %get3A_9 = arith.constant 0 : index
    %get3A_10 = vector.load %arg5[%get3A_8, %get3A_9] : memref<256x512xbf16, #tpu.memory_space<vmem>>, vector<256x512xbf16>
    %convert_element_type3A = arith.truncf %get3A_4 : vector<2000x256xf32> to vector<2000x256xbf16>
    %convert_element_type3A_11 = arith.extf %convert_element_type3A : vector<2000x256xbf16> to vector<2000x256xf32>
    %sub3A = arith.subf %get3A_4, %convert_element_type3A_11 : vector<2000x256xf32>
    %convert_element_type3A_12 = arith.truncf %sub3A : vector<2000x256xf32> to vector<2000x256xbf16>
    %dot_general3A = arith.constant dense<0.000000e+00> : vector<2000x512xf32>
    %dot_general3A_13 = tpu.matmul %convert_element_type3A, %get3A_10, %dot_general3A {dimension_numbers = #tpu.dot_dimension_numbers<[1], [0], [0], [1], [0, 0, 1, 1], [], []>, transpose_lhs_hint = false} : vector<2000x256xbf16>, vector<256x512xbf16>, vector<2000x512xf32> -> vector<2000x512xf32>
    %dot_general3A_14 = arith.constant dense<0.000000e+00> : vector<2000x512xf32>
    %dot_general3A_15 = tpu.matmul %convert_element_type3A_12, %get3A_7, %dot_general3A_14 {dimension_numbers = #tpu.dot_dimension_numbers<[1], [0], [0], [1], [0, 0, 1, 1], [], []>, transpose_lhs_hint = false} : vector<2000x256xbf16>, vector<256x512xbf16>, vector<2000x512xf32> -> vector<2000x512xf32>
    %add3A = arith.addf %dot_general3A_13, %dot_general3A_15 : vector<2000x512xf32>
    %dot_general3A_16 = arith.constant dense<0.000000e+00> : vector<2000x512xf32>
    %dot_general3A_17 = tpu.matmul %convert_element_type3A, %get3A_7, %dot_general3A_16 {dimension_numbers = #tpu.dot_dimension_numbers<[1], [0], [0], [1], [0, 0, 1, 1], [], []>, transpose_lhs_hint = false} : vector<2000x256xbf16>, vector<256x512xbf16>, vector<2000x512xf32> -> vector<2000x512xf32>
    %add3A_18 = arith.addf %add3A, %dot_general3A_17 : vector<2000x512xf32>
    %add3A_19 = arith.addf %get3A_1, %add3A_18 : vector<2000x512xf32>
    %reduce_sum3A = arith.constant dense<0.000000e+00> : vector<2000xf32>
    %reduce_sum3A_20 = vector.multi_reduction <add>, %add3A_19, %reduce_sum3A [1] : vector<2000x512xf32> to vector<2000xf32>
    %broadcast_in_dim3A = vector.shape_cast %reduce_sum3A_20 : vector<2000xf32> to vector<2000x1xf32>
    %div3A = arith.constant 5.120000e+02 : f32
    %div3A_21 = vector.broadcast %div3A : f32 to vector<2000x1xf32>
    %div3A_22 = arith.divf %broadcast_in_dim3A, %div3A_21 : vector<2000x1xf32>
    %sub3A_23 = vector.broadcast %div3A_22 : vector<2000x1xf32> to vector<2000x512xf32>
    %sub3A_24 = arith.subf %add3A_19, %sub3A_23 : vector<2000x512xf32>
    %integer_pow3A = arith.mulf %sub3A_24, %sub3A_24 : vector<2000x512xf32>
    %reduce_sum3A_25 = arith.constant dense<0.000000e+00> : vector<2000xf32>
    %reduce_sum3A_26 = vector.multi_reduction <add>, %integer_pow3A, %reduce_sum3A_25 [1] : vector<2000x512xf32> to vector<2000xf32>
    %broadcast_in_dim3A_27 = vector.shape_cast %reduce_sum3A_26 : vector<2000xf32> to vector<2000x1xf32>
    %div3A_28 = arith.constant 5.120000e+02 : f32
    %div3A_29 = vector.broadcast %div3A_28 : f32 to vector<2000x1xf32>
    %div3A_30 = arith.divf %broadcast_in_dim3A_27, %div3A_29 : vector<2000x1xf32>
    %sub3A_31 = vector.broadcast %div3A_22 : vector<2000x1xf32> to vector<2000x512xf32>
    %sub3A_32 = arith.subf %add3A_19, %sub3A_31 : vector<2000x512xf32>
    %add3A_33 = arith.constant 9.99999974E-6 : f32
    %add3A_34 = vector.broadcast %add3A_33 : f32 to vector<2000x1xf32>
    %add3A_35 = arith.addf %div3A_30, %add3A_34 : vector<2000x1xf32>
    %rsqrt3A = math.rsqrt %add3A_35 : vector<2000x1xf32>
    %mul3A = vector.broadcast %rsqrt3A : vector<2000x1xf32> to vector<2000x512xf32>
    %mul3A_36 = arith.mulf %sub3A_32, %mul3A : vector<2000x512xf32>
    %get3A_37 = arith.constant 0 : index
    %get3A_38 = arith.constant 0 : index
    %get3A_39 = vector.load %arg8[%get3A_37, %get3A_38] : memref<1x512xf32, #tpu.memory_space<vmem>>, vector<1x512xf32>
    %mul3A_40 = vector.broadcast %get3A_39 : vector<1x512xf32> to vector<2000x512xf32>
    %mul3A_41 = arith.mulf %mul3A_36, %mul3A_40 : vector<2000x512xf32>
    %get3A_42 = arith.constant 0 : index
    %get3A_43 = arith.constant 0 : index
    %get3A_44 = vector.load %arg9[%get3A_42, %get3A_43] : memref<1x512xf32, #tpu.memory_space<vmem>>, vector<1x512xf32>
    %add3A_45 = vector.broadcast %get3A_44 : vector<1x512xf32> to vector<2000x512xf32>
    %add3A_46 = arith.addf %mul3A_41, %add3A_45 : vector<2000x512xf32>
    %logistic3A = arith.negf %add3A_46 : vector<2000x512xf32>
    %logistic3A_47 = math.exp %logistic3A : vector<2000x512xf32>
    %logistic3A_48 = arith.constant 1.000000e+00 : f32
    %logistic3A_49 = vector.broadcast %logistic3A_48 : f32 to vector<2000x512xf32>
    %logistic3A_50 = arith.addf %logistic3A_49, %logistic3A_47 : vector<2000x512xf32>
    %logistic3A_51 = arith.divf %logistic3A_49, %logistic3A_50 : vector<2000x512xf32>
    %mul3A_52 = arith.mulf %add3A_46, %logistic3A_51 : vector<2000x512xf32>
    %get3A_53 = arith.constant 0 : index
    %get3A_54 = arith.constant 0 : index
    %get3A_55 = vector.load %arg3[%get3A_53, %get3A_54] : memref<2000x256xf32, #tpu.memory_space<vmem>>, vector<2000x256xf32>
    %get3A_56 = arith.constant 0 : index
    %get3A_57 = arith.constant 0 : index
    %get3A_58 = vector.load %arg6[%get3A_56, %get3A_57] : memref<512x256xbf16, #tpu.memory_space<vmem>>, vector<512x256xbf16>
    %get3A_59 = arith.constant 0 : index
    %get3A_60 = arith.constant 0 : index
    %get3A_61 = vector.load %arg7[%get3A_59, %get3A_60] : memref<512x256xbf16, #tpu.memory_space<vmem>>, vector<512x256xbf16>
    %convert_element_type3A_62 = arith.truncf %mul3A_52 : vector<2000x512xf32> to vector<2000x512xbf16>
    %convert_element_type3A_63 = arith.extf %convert_element_type3A_62 : vector<2000x512xbf16> to vector<2000x512xf32>
    %sub3A_64 = arith.subf %mul3A_52, %convert_element_type3A_63 : vector<2000x512xf32>
    %convert_element_type3A_65 = arith.truncf %sub3A_64 : vector<2000x512xf32> to vector<2000x512xbf16>
    %dot_general3A_66 = arith.constant dense<0.000000e+00> : vector<2000x256xf32>
    %dot_general3A_67 = tpu.matmul %convert_element_type3A_62, %get3A_61, %dot_general3A_66 {dimension_numbers = #tpu.dot_dimension_numbers<[1], [0], [0], [1], [0, 0, 1, 1], [], []>, transpose_lhs_hint = false} : vector<2000x512xbf16>, vector<512x256xbf16>, vector<2000x256xf32> -> vector<2000x256xf32>
    %dot_general3A_68 = arith.constant dense<0.000000e+00> : vector<2000x256xf32>
    %dot_general3A_69 = tpu.matmul %convert_element_type3A_65, %get3A_58, %dot_general3A_68 {dimension_numbers = #tpu.dot_dimension_numbers<[1], [0], [0], [1], [0, 0, 1, 1], [], []>, transpose_lhs_hint = false} : vector<2000x512xbf16>, vector<512x256xbf16>, vector<2000x256xf32> -> vector<2000x256xf32>
    %add3A_70 = arith.addf %dot_general3A_67, %dot_general3A_69 : vector<2000x256xf32>
    %dot_general3A_71 = arith.constant dense<0.000000e+00> : vector<2000x256xf32>
    %dot_general3A_72 = tpu.matmul %convert_element_type3A_62, %get3A_58, %dot_general3A_71 {dimension_numbers = #tpu.dot_dimension_numbers<[1], [0], [0], [1], [0, 0, 1, 1], [], []>, transpose_lhs_hint = false} : vector<2000x512xbf16>, vector<512x256xbf16>, vector<2000x256xf32> -> vector<2000x256xf32>
    %add3A_73 = arith.addf %add3A_70, %dot_general3A_72 : vector<2000x256xf32>
    %add3A_74 = arith.addf %get3A_55, %add3A_73 : vector<2000x256xf32>
    %get3A_75 = arith.constant 0 : index
    %get3A_76 = arith.constant 0 : index
    %get3A_77 = vector.load %arg10[%get3A_75, %get3A_76] : memref<1x256xf32, #tpu.memory_space<vmem>>, vector<1x256xf32>
    %add3A_78 = vector.broadcast %get3A_77 : vector<1x256xf32> to vector<2000x256xf32>
    %add3A_79 = arith.addf %add3A_74, %add3A_78 : vector<2000x256xf32>
    %swap3A = arith.constant 0 : index
    %swap3A_80 = arith.constant 0 : index
    %swap3A_81 = vector.load %arg11[%swap3A, %swap3A_80] : memref<2000x256xf32, #tpu.memory_space<vmem>>, vector<2000x256xf32>
    tpu.vector_store %arg11[%swap3A, %swap3A_80], %add3A_79 {strides = array<i32>} : memref<2000x256xf32, #tpu.memory_space<vmem>>, vector<2000x256xf32>,
    return
  }
  func.func @transform_0(%arg0: i32) -> (i32, i32) {
    %c0_i32 = arith.constant 0 : i32
    %c0_i32_0 = arith.constant 0 : i32
    return %arg0, %c0_i32 : i32, i32
  }
  func.func @transform_1(%arg0: i32) -> (i32, i32) {
    %c0_i32 = arith.constant 0 : i32
    %c0_i32_0 = arith.constant 0 : i32
    return %arg0, %c0_i32 : i32, i32
  }
  func.func @transform_2(%arg0: i32) -> (i32, i32) {
    %c0_i32 = arith.constant 0 : i32
    %c0_i32_0 = arith.constant 0 : i32
    return %arg0, %c0_i32 : i32, i32
  }
  func.func @transform_3(%arg0: i32) -> (i32, i32) {
    %c0_i32 = arith.constant 0 : i32
    %c0_i32_0 = arith.constant 0 : i32
    %c0_i32_1 = arith.constant 0 : i32
    return %c0_i32, %c0_i32_0 : i32, i32
  }
  func.func @transform_4(%arg0: i32) -> (i32, i32) {
    %c0_i32 = arith.constant 0 : i32
    %c0_i32_0 = arith.constant 0 : i32
    %c0_i32_1 = arith.constant 0 : i32
    return %c0_i32, %c0_i32_0 : i32, i32
  }
  func.func @transform_5(%arg0: i32) -> (i32, i32) {
    %c0_i32 = arith.constant 0 : i32
    %c0_i32_0 = arith.constant 0 : i32
    %c0_i32_1 = arith.constant 0 : i32
    return %c0_i32, %c0_i32_0 : i32, i32
  }
  func.func @transform_6(%arg0: i32) -> (i32, i32) {
    %c0_i32 = arith.constant 0 : i32
    %c0_i32_0 = arith.constant 0 : i32
    %c0_i32_1 = arith.constant 0 : i32
    return %c0_i32, %c0_i32_0 : i32, i32
  }
  func.func @transform_7(%arg0: i32) -> (i32, i32) {
    %c0_i32 = arith.constant 0 : i32
    %c0_i32_0 = arith.constant 0 : i32
    %c0_i32_1 = arith.constant 0 : i32
    return %c0_i32, %c0_i32_0 : i32, i32
  }
  func.func @transform_8(%arg0: i32) -> (i32, i32) {
    %c0_i32 = arith.constant 0 : i32
    %c0_i32_0 = arith.constant 0 : i32
    %c0_i32_1 = arith.constant 0 : i32
    return %c0_i32, %c0_i32_0 : i32, i32
  }
  func.func @transform_9(%arg0: i32) -> (i32, i32) {
    %c0_i32 = arith.constant 0 : i32
    %c0_i32_0 = arith.constant 0 : i32
    %c0_i32_1 = arith.constant 0 : i32
    return %c0_i32, %c0_i32_0 : i32, i32
  }
  func.func @transform_10(%arg0: i32) -> (i32, i32) {
    %c0_i32 = arith.constant 0 : i32
    %c0_i32_0 = arith.constant 0 : i32
    return %arg0, %c0_i32 : i32, i32
  }
}

</mosaic_0001>

<sc_bundles>
// kernel: kernel.5.cloned.1.call-start
scs
__scs_entry_jumppad:
0x0: {  	(pc) =	sbr.rel $0x88, $3  }
0x1: {  	(tag) =	ssettag $0x0;
	lr =	simm.s32 $0x1  }
0x2: {  	[smem:$0x3F98] =	sst lr;
	_ =	strace $0xD0000000  }
0x3: {  	_ = 	snop  }
0x4: {  	_ = 	snop  }
0x5: {  	_ = 	snop  }
0x6: {  	_ = 	snop  }
0x7: {  	_ = 	snop  }
__scs_overlays_trampoline_lowered:
0x8: {  	[smem:$0x3FA7] =	sst s0  }
0x9: {  	[smem:$0x3FA8] =	sst s1  }
0xa: {  	[smem:$0x3FA9] =	sst s2  }
0xb: {  	[smem:$0x3FAA] =	sst s3  }
0xc: {  	[smem:$0x3FAB] =	sst s4  }
0xd: {  	[smem:$0x3FAC] =	sst s5  }
0xe: {  	[smem:$0x3FAD] =	sst s6  }
0xf: {  	[smem:$0x3FAE] =	sst s7  }
0x10: {  	[smem:$0x3FAF] =	sst s8  }
0x11: {  	[smem:$0x3FB0] =	sst s9;
	s0 =	simm.s32 @!p0 $0x0  }
0x12: {  	s1 =	sld [smem:$0x3F96];
	s0 =	simm.s32 @p0 $0x1  }
0x13: {  	[smem:$0x3FB1] =	sst s0;
	s0 =	simm.s32 @!p1 $0x0  }
0x14: {  	s2 =	sld [smem:$0x3F95];
	s0 =	simm.s32 @p1 $0x1  }
0x15: {  	[smem:$0x3FB2] =	sst s0;
	s0 =	simm.s32 @!p2 $0x0  }
0x16: {  	s3 =	sld [smem:$0x3FDB];
	s0 =	simm.s32 @p2 $0x1  }
0x17: {  	s4 =	simm.s32 $0x1BF5;
	[smem:$0x3FB4] =	sst s0  }
0x18: {  	s0 =	sld [smem:$0x3F97];
	_ =	swait.ge [sflag:s4], $0x0  }
0x19: {  	s7 =	sld [smem:$0x3F98]  }
0x1a: {  	s8 =	sadd.s32 $0xFFFFE003, lr  }
0x1b: {  	s9 =	sadd.s32 $0xFFFFFEF7, lr;
	s5 =	simm.s32 $0xFFFFFFFF;
	p2 =	slt.u32 s8, $0xFFFFF086  }
0x1c: {  	p1 =	slt.u32 s9, $0xF7A;
	s5 =	simm.s32 @!p2 $0x0  }
0x1d: {  	s5 =	simm.s32 @p1 $0x1;
	p0 =	seq.s32 s7, s2  }
0x1e: {  	s7 =	smul.u32 @!p0 $0xF7A, s2;
	p2 =	seq.s32 @!p0 s5, $0x0  }
0x1f: {  	s9 =	smul.u32 $0xF7A, s1;
	s8 =	simm.s32 @!p0 $0x1BF5;
	p2 =	por !p2, p0  }
0x20: {  	[sflag:s8] =	ssyncset.s32 @!p0 $0xFFFFF086;
	s6 =	sadd.s32 @!p0 s3, s7;
	s7 =	simm.s32 @!p0 $0x108  }
0x21: {  	s3 =	sadd.s32 s3, s9;
	s6 =	sadd.s32 @!p0 $0x88, s6;
	s7 =	simm.s32 @p2 $0x1082  }
0x22: {  	[simem:s7], [sflag:s8] =	dma.local @!p0 [hbm:s6], $0xF7A  }
0x23: {  	s9 =	sor.u32 $0xD0000000, s2;
	s6 =	simm.s32 $0x108;
	_ =	swait.ge @!p0 [sflag:s8], $0x0  }
0x24: {  	s3 =	sadd.s32 $0x88, s3;
	s6 =	simm.s32 @!p1 $0x1082;
	[sflag:s4] =	ssyncset.s32 $0xFFFFF086  }
0x25: {  	[simem:s6], [sflag:s4] =	dma.local [hbm:s3], $0xF7A  }
0x26: {  	[smem:$0x3F98] =	sst s1;
	(tag) =	ssettag s2;
	_ =	strace s9  }
0x27: {  	s1 =	sld [smem:$0x3FA8]  }
0x28: {  	s2 =	sld [smem:$0x3FA9]  }
0x29: {  	s4 =	sld [smem:$0x3FAB]  }
0x2a: {  	p0 =	seq.s32 s5, $0x0;
	s5 =	sld [smem:$0x3FAC]  }
0x2b: {  	s6 =	sld [smem:$0x3FAD]  }
0x2c: {  	s7 =	sld [smem:$0x3FAE]  }
0x2d: {  	s3 =	simm.s32 $0x108;
	s8 =	sld [smem:$0x3FAF]  }
0x2e: {  	s3 =	simm.s32 @!p0 $0x1082;
	s9 =	sld [smem:$0x3FB0]  }
0x2f: {  	lr =	sadd.s32 s0, s3;
	s0 =	sld [smem:$0x3FA7]  }
0x30: {  	s3 =	sld [smem:$0x3FAA]  }
0x31: {  	[smem:$0x3FB3] =	sst s10  }
0x32: {  	s10 =	sld [smem:$0x3FB1];
	_ =	sdelay $0x3  }
0x33: {  	p0 =	seq.s32 s10, $0x1;
	s10 =	sld [smem:$0x3FB3];
	_ =	sdelay $0x3  }
0x34: {  	[smem:$0x3FB3] =	sst s10  }
0x35: {  	s10 =	sld [smem:$0x3FB2];
	_ =	sdelay $0x3  }
0x36: {  	p1 =	seq.s32 s10, $0x1;
	s10 =	sld [smem:$0x3FB3];
	_ =	sdelay $0x3  }
0x37: {  	[smem:$0x3FB3] =	sst s10  }
0x38: {  	s10 =	sld [smem:$0x3FB4]  }
0x39: {  	_ = 	snop;
	(pc) =	sbr.ind lr, $3  }
0x3a: {  	_ = 	snop  }
0x3b: {  	_ = 	snop  }
0x3c: {  	p2 =	seq.s32 s10, $0x1;
	s10 =	sld [smem:$0x3FB3]  }
0x3d: {  	_ =	shalt  }
0x3e: {  	_ =	shalt  }
0x3f: {  	_ =	shalt  }
0x40: {  	_ =	shalt  }
0x41: {  	_ =	shalt  }
0x42: {  	_ =	shalt  }
0x43: {  	_ =	shalt  }
0x44: {  	_ =	shalt  }
0x45: {  	_ =	shalt  }
0x46: {  	_ =	shalt  }
0x47: {  	_ =	shalt  }
0x48: {  	_ =	shalt  }
0x49: {  	_ =	shalt  }
0x4a: {  	_ =	shalt  }
0x4b: {  	_ =	shalt  }
0x4c: {  	_ =	shalt  }
0x4d: {  	_ =	shalt  }
0x4e: {  	_ =	shalt  }
0x4f: {  	_ =	shalt  }
0x50: {  	_ =	shalt  }
0x51: {  	_ =	shalt  }
0x52: {  	_ =	shalt  }
0x53: {  	_ =	shalt  }
0x54: {  	_ =	shalt  }
0x55: {  	_ =	shalt  }
0x56: {  	_ =	shalt  }
0x57: {  	_ =	shalt  }
0x58: {  	_ =	shalt  }
0x59: {  	_ =	shalt  }
0x5a: {  	_ =	shalt  }
0x5b: {  	_ =	shalt  }
0x5c: {  	_ =	shalt  }
0x5d: {  	_ =	shalt  }
0x5e: {  	_ =	shalt  }
0x5f: {  	_ =	shalt  }
0x60: {  	_ =	shalt  }
0x61: {  	_ =	shalt  }
0x62: {  	_ =	shalt  }
0x63: {  	_ =	shalt  }
0x64: {  	_ =	shalt  }
0x65: {  	_ =	shalt  }
0x66: {  	_ =	shalt  }
0x67: {  	_ =	shalt  }
0x68: {  	_ =	shalt  }
0x69: {  	_ =	shalt  }
0x6a: {  	_ =	shalt  }
0x6b: {  	_ =	shalt  }
0x6c: {  	_ =	shalt  }
0x6d: {  	_ =	shalt  }
0x6e: {  	_ =	shalt  }
0x6f: {  	_ =	shalt  }
0x70: {  	_ =	shalt  }
0x71: {  	_ =	shalt  }
0x72: {  	_ =	shalt  }
0x73: {  	_ =	shalt  }
0x74: {  	_ =	shalt  }
0x75: {  	_ =	shalt  }
0x76: {  	_ =	shalt  }
0x77: {  	_ =	shalt  }
0x78: {  	_ =	shalt  }
0x79: {  	_ =	shalt  }
0x7a: {  	_ =	shalt  }
0x7b: {  	_ =	shalt  }
0x7c: {  	_ =	shalt  }
0x7d: {  	_ =	shalt  }
0x7e: {  	_ =	shalt  }
0x7f: {  	_ =	shalt  }
0x80: {  	_ =	shalt  }
0x81: {  	_ =	shalt  }
0x82: {  	_ =	shalt  }
0x83: {  	_ =	shalt  }
0x84: {  	_ =	shalt  }
0x85: {  	_ =	shalt  }
0x86: {  	_ =	shalt  }
0x87: {  	_ =	shalt  }
.Lfunc_end0:
.L_simem_size_0:
called_computation_lowered:
.L_overlay_start_0:
0x88: {  	s2 =	sld [smem:$0x3FD9]  }
0x89: {  	s3 =	sld [smem:$0x3FFE];
	_ =	sdelay $0x1  }
0x8a: {  	s1 =	srdreg.scid  }
0x8b: {  	s0 =	sand.u32 $0x1, s1  }
0x8c: {  	s17 =	sshll.u32 s0, $0xA;
	s2 =	sadd.s32 s3, s2  }
0x8d: {  	s2 =	sadd.s32 s2, s17  }
0x8e: {  	[smem:$0x3FBF] =	sst s2  }
0x8f: {  	_ = 	snop  }
0x90: {  	s2 =	sld [smem:$0x3FC8]  }
0x91: {  	s18 =	sld [smem:$0x3FD0];
	(tm) =	ssettm $0x1  }
0x92: {  	s4 =	sld [smem:$0x3FFB];
	_ =	sdelay $0x3  }
0x93: {  	_ =	strace s4  }
0x94: {  	s4 =	sld [smem:$0x3FFC];
	_ =	sdelay $0x3  }
0x95: {  	_ =	strace s4  }
0x96: {  	s4 =	sld [smem:$0x3FFD];
	_ =	sdelay $0x3  }
0x97: {  	_ =	strace s4  }
0x98: {  	_ =	strace $0x8FFFFFFF  }
0x99: {  	s19 =	sld [smem:$0x3FDB];
	_ =	sdelay $0x1  }
0x9a: {  	s5 =	simm.s32 $_scs_section_size  }
0x9b: {  	s6 =	simm.s32 $_size__tile_overlayer_lowered;
	s7 =	simm.s32 $_tile_overlayer_lowered  }
0x9c: {  	s22 =	simm.s32 $0x1BFF;
	s21 =	sshll.u32 s7, $0x1;
	s4 =	sadd.s32 s5, s19  }
0x9d: {  	s8 =	simm.s32 $0x0;
	s20 =	sshll.u32 s6, $0x1;
	s6 =	sadd.s32 s21, s4  }
0x9e: {  	[timem:s8], [sflag:s22] =	dma.local [hbm:s6], s20  }
0x9f: {  	_ =	swait.ge [sflag:s22], s20  }
0xa0: {  	s5 =	ssub.s32 $0x0, s20;
	[sflag:s22] =	ssyncset.done $0x0  }
0xa1: {  	[sflag:s22] =	ssyncadd.s32 s5;
	_ =	sdelay $0x1  }
0xa2: {  	s23 =	simm.s32 $0x1B8B  }
0xa3: {  	_ =	swait.ge [sflag:s23], $0x1  }
0xa4: {  	[sflag:s23] =	ssyncset.done $0x0  }
0xa5: {  	s25 =	simm.s32 $0x1B8E;
	s24 =	sld [smem:$0x3FFE];
	[sflag:s23] =	ssyncadd.s32 $0xFFFFFFFF  }
0xa6: {  	s26 =	simm.s32 $execute0_lowered;
	[smem:$0x3FD2] =	sst s25  }
0xa7: {  	s6 =	sshll.u32 s26, $0x1;
	_ =	strace $0x80000046;
	[dreg:$0x1] =	wrdreg $0xFFFFFFFF  }
0xa8: {  	s28 =	simm.s32 $_size_execute0_lowered;
	s4 =	sadd.s32 s4, s6;
	[dreg:$0x0] =	wrdreg $0x0  }
0xa9: {  	s6 =	sshll.u32 s28, $0x1;
	[dreg:$0x2] =	wrdreg s4  }
0xaa: {  	[dreg:$0x3] =	wrdreg s6  }
0xab: {  	[dreg:$0x4] =	wrdreg $0xC0  }
0xac: {  	_ =	task [dreg:s8], $0x5FFFF  }
0xad: {  	[dreg:$0x1] =	wrdreg $0xFFFFFFFF  }
0xae: {  	[dreg:$0x0] =	wrdreg $0x60  }
0xaf: {  	[dreg:$0x2] =	wrdreg s2  }
0xb0: {  	[dreg:$0x3] =	wrdreg s18  }
0xb1: {  	[dreg:$0x4] =	wrdreg s24  }
0xb2: {  	[dreg:$0x5] =	wrdreg $0xA4000  }
0xb3: {  	[dreg:$0x6] =	wrdreg $0x9  }
0xb4: {  	_ =	task.clear_ibuf [dreg:s8], $0x7FFFF;
	_ =	strace $0x90000046  }
0xb5: {  	s29 =	simm.s32 $0x9;
	_ =	strace $0x80000048  }
0xb6: {  	_ =	swait.ge [sflag:s29], $0x1  }
0xb7: {  	[sflag:s29] =	ssyncadd.s32 $0xFFFFFFFF  }
0xb8: {  	_ =	strace $0x90000048  }
0xb9: {  	_ =	sfence  }
0xba: {  	s30 =	sld [smem:$0x0];
	_ =	sdelay $0x2  }
0xbb: {  	s31 =	sshll.u32 s1, $0xD;
	s1 =	sshrl.u32 s1, $0x2  }
0xbc: {  	s3 =	sand.u32 $0x4000, s31;
	s1 =	sadd.s32 s1, s30  }
0xbd: {  	s0 =	sor.u32 s3, s0;
	s1 =	sshll.u32 s1, $0x11  }
0xbe: {  	s0 =	sor.u32 s1, s0  }
0xbf: {  	s0 =	sadd.s32 $0x8F2B, s0  }
0xc0: {  	[sflag:s0] =	ssyncadd.remote.s32 $0x1  }
0xc1: {  	_ =	sfence.sel $0xFFFF  }
0xc2: {  	[dreg:$0x0] =	wrdreg $0xFFFFFFFF;
	(pc) =	sbr.abs _section_cstart, $3  }
0xc3: {  	[dreg:$0x1] =	wrdreg $0xFFFFFFFF  }
0xc4: {  	_ =	task.clear_ibuf [dreg:s8], $0x2FFFF;
	_ =	strace $0x9FFFFFFF  }
0xc5: {  	(tm) =	ssettm $0x7FFFFFFF  }
tec
execute0_lowered:
.L_overlay_start_1:
0x0: {  	(tag) =	ssettag $0x1  }
0x1: {  	s22 =	rddreg [dreg:$0x0]  }
0x2: {  	s6 =	rddreg [dreg:$0x1]  }
0x3: {  	s0 =	rddreg [dreg:$0x2];
	s11 =	stileid.u32  }
0x4: {  	s3 =	rddreg [dreg:$0x3];
	s2 =	smul.u32 $0x27800, s11  }
0x5: {  	s1 =	srdreg.scid;
	s4 =	simm.s32 $0x0;
	s18 =	smul.u32 $0x4F000, s11  }
0x6: {  	s28 =	simm.s32 $0x180;
	s1 =	sand.u32 $0x1, s1;
	s8 =	smul.u32 $0x2710, s11  }
0x7: {  	[smem:$0x7FF] =	sst s4;
	s7 =	sadd.s32 $0x1C00, s0;
	s9 =	smul.u32 $0x271000, s11  }
0x8: {  	s21 =	sshll.u32 s11, $0x6;
	s5 =	sshll.u32 s1, $0xA;
	_ =	strace $0x80000047  }
0x9: {  	[dreg:$0xd] =	wrdreg s7;
	s1 =	ssub.s32 $0x2, s1;
	s14 =	sor.u32 $0x1C19, s21  }
0xa: {  	s21 =	smul.u32 $0x4E2, s11;
	s2 =	sor.u32 s5, s2;
	s19 =	sshrl.u32 s1, $0x1  }
0xb: {  	s7 =	sshrl.u32 s18, $0x2;
	s23 =	sshrl.u32 s8, $0x3;
	s25 =	sadd.s32 $0x27128, s8  }
0xc: {  	s31 =	sadd.s32 $0x27178, s8;
	s16 =	sadd.s32 $0x271C8, s8;
	[dreg:$0xf] =	wrdreg s14  }
0xd: {  	s2 =	sshrl.u32 s2, $0x3;
	s1 =	ssub.s32 s1, s19;
	s20 =	sadd.s32 s7, s3  }
0xe: {  	s26 =	sshrl.u32 s25, $0x3;
	s12 =	sshrl.u32 s31, $0x3;
	s18 =	sshrl.u32 s16, $0x3  }
0xf: {  	s0 =	sadd.s32 s2, s0;
	[dreg:$0xe] =	wrdreg s20;
	s2 =	sor.u32 s5, s9  }
0x10: {  	s5 =	sadd.s32 s6, s23;
	s20 =	sadd.s32 $0x27218, s8;
	s8 =	sadd.s32 $0x297E8, s8  }
0x11: {  	s24 =	sshrl.u32 s2, $0x3;
	s10 =	sadd.s32 $0x4E20, s5;
	s29 =	sadd.s32 $0x2800, s2  }
0x12: {  	s30 =	sadd.s32 $0x5000, s2;
	s13 =	sadd.s32 $0x7800, s2;
	s15 =	sadd.s32 $0xA000, s2  }
0x13: {  	s19 =	sadd.s32 $0xC800, s2;
	s8 =	sshrl.u32 s8, $0x3;
	s23 =	sadd.s32 $0x25800, s2  }
0x14: {  	s25 =	sadd.s32 $0x23000, s2;
	s0 =	sadd.s32 $0x4400, s0;
	[dreg:$0x10] =	wrdreg s10  }
0x15: {  	s31 =	sadd.s32 $0x1E000, s2;
	s7 =	sadd.s32 s22, s24;
	[smem:$0x7FB] =	sst s0  }
0x16: {  	s16 =	sadd.s32 $0xF000, s2;
	s8 =	sadd.s32 s6, s8;
	[dreg:$0x11] =	wrdreg s7  }
0x17: {  	s9 =	sshrl.u32 s30, $0x3;
	s24 =	sshrl.u32 s23, $0x3;
	[dreg:$0x1a] =	wrdreg s8  }
0x18: {  	s10 =	sadd.s32 $0x1B800, s2;
	s7 =	sadd.s32 s6, s26;
	[dreg:$0x6] =	wrdreg s24  }
0x19: {  	s23 =	sadd.s32 $0x26C000, s2;
	s9 =	sadd.s32 s22, s9;
	[dreg:$0x12] =	wrdreg s7  }
0x1a: {  	s26 =	sshrl.u32 s25, $0x3;
	s11 =	sshrl.u32 s10, $0x3;
	[dreg:$0x14] =	wrdreg s9  }
0x1b: {  	s24 =	sadd.s32 $0x26E800, s2;
	s7 =	sshrl.u32 s29, $0x3;
	[dreg:$0x7] =	wrdreg s26  }
0x1c: {  	s9 =	sshrl.u32 s15, $0x3;
	[dreg:$0xa] =	wrdreg s11;
	s7 =	sadd.s32 s22, s7  }
0x1d: {  	s29 =	sadd.s32 $0x20800, s2;
	s17 =	sadd.s32 s22, s9;
	[dreg:$0x13] =	wrdreg s7  }
0x1e: {  	s15 =	sadd.s32 $0x16800, s2;
	s30 =	sshrl.u32 s29, $0x3;
	[dreg:$0x17] =	wrdreg s17  }
0x1f: {  	s26 =	sshrl.u32 s24, $0x3;
	s8 =	sshrl.u32 s15, $0x3;
	[dreg:$0x8] =	wrdreg s30  }
0x20: {  	s9 =	sshrl.u32 s20, $0x3;
	s20 =	sadd.s32 $0x4E34, s5;
	[dreg:$0xc] =	wrdreg s8  }
0x21: {  	s0 =	simm.s32 $0x4000;
	s29 =	sadd.s32 s22, s26;
	[dreg:$0x1f] =	wrdreg s20  }
0x22: {  	s25 =	sshrl.u32 s23, $0x3;
	s7 =	sadd.s32 s6, s12;
	[smem:$0x7FA] =	sst s29  }
0x23: {  	s11 =	simm.s32 $0x3;
	s9 =	sadd.s32 s6, s9;
	[dreg:$0x15] =	wrdreg s7  }
0x24: {  	s15 =	simm.s32 $0x28;
	s30 =	smax.u32 s1, $0x1;
	[dreg:$0x19] =	wrdreg s9  }
0x25: {  	s12 =	sadd.s32 $0x19000, s2;
	s9 =	sshrl.u32 s31, $0x3;
	[smem:$0x7FC] =	sst s30  }
0x26: {  	s7 =	sshrl.u32 s13, $0x3;
	s13 =	sshrl.u32 s12, $0x3;
	[dreg:$0x9] =	wrdreg s9  }
0x27: {  	s17 =	sadd.s32 $0x11800, s2;
	s31 =	sadd.s32 $0x14000, s2;
	[dreg:$0xb] =	wrdreg s13  }
0x28: {  	s20 =	simm.s32 $0x4;
	s7 =	sadd.s32 s22, s7;
	[smem:$0x7FD] =	sst s31  }
0x29: {  	s1 =	simm.s32 $0x0;
	[dreg:$0x16] =	wrdreg s7;
	s7 =	sadd.s32 s6, s18  }
0x2a: {  	s2 =	simm.s32 $0x800;
	s6 =	sadd.s32 s21, s6;
	[dreg:$0x18] =	wrdreg s7  }
0x2b: {  	s12 =	simm.s32 $0xB;
	s21 =	sadd.s32 $0x4E3E, s5;
	[dreg:$0x5] =	wrdreg s6  }
0x2c: {  	s7 =	sshrl.u32 s19, $0x3;
	s19 =	sadd.s32 $0x4E2A, s5;
	[smem:$0x7F7] =	sst s21  }
0x2d: {  	s18 =	sshrl.u32 s17, $0x3;
	s5 =	sadd.s32 $0x52F8, s5;
	[dreg:$0x1e] =	wrdreg s19  }
0x2e: {  	s6 =	sshrl.u32 s16, $0x3;
	s7 =	sadd.s32 s22, s7;
	[smem:$0x7F8] =	sst s5  }
0x2f: {  	s21 =	simm.s32 $0xC;
	s6 =	sadd.s32 s22, s6;
	[dreg:$0x1b] =	wrdreg s7  }
0x30: {  	s5 =	sadd.s32 s22, s25;
	s25 =	simm.s32 $0x18;
	[dreg:$0x1c] =	wrdreg s6  }
0x31: {  	s6 =	sadd.s32 s22, s18;
	[smem:$0x7F9] =	sst s5;
	s18 =	simm.s32 $0x19  }
0x32: {  	s5 =	simm.s32 $0x400;
	s7 =	simm.s32 $0x2C00;
	[dreg:$0x1d] =	wrdreg s6  }
.LBB2_1:
0x33: {  	[smem:$0x7F5] =	sst s1  }
0x34: {  	s13 =	rddreg [dreg:$0xe]  }
0x35: {  	s19 =	rddreg [dreg:$0xd];
	s17 =	sshrl.u32 s13, $0x3  }
0x36: {  	[smem:$0x7F6] =	sst s17  }
0x37: {  	[spmem:s17], [sflag:s14] =	dma.local [hbm:s19], $0x2780  }
0x38: {  	_ =	swait.ge [sflag:s18], $0x2780  }
0x39: {  	[sflag:s18] =	ssyncset.done $0x0  }
0x3a: {  	[sflag:s18] =	ssyncadd.s32 $0xFFFFD880  }
0x3b: {  	[bflag:$0x0] =	sbarrier.arrive $0xFFFF  }
0x3c: {  	s23 =	rddreg [dreg:$0x10]  }
0x3d: {  	[tilespmem:s4], [sflag:$0x1] =	stream.linear.gather [hbm4b:s23+s4], $0x28, $0x38;
	[tilespmem:$0x1E000] =	vst v63  }
0x3e: {  	s24 =	rddreg [dreg:$0x11]  }
0x3f: {  	[tilespmem:s5], [sflag:$0x9] =	stream.strided.gather [hbm4b:s24+s5], $0x1400, s2, s5, $0x38;
	[tilespmem:$0x1E000] =	vst v63  }
0x40: {  	s19 =	simm.s32 $0x80;
	s26 =	rddreg [dreg:$0x12]  }
0x41: {  	[tilespmem:s19], [sflag:$0x2] =	stream.linear.gather [hbm4b:s26+s4], $0x28, $0x38;
	[tilespmem:$0x1E000] =	vst v63  }
0x42: {  	s1 =	rddreg [dreg:$0x13];
	s23 =	simm.s32 $0x1800  }
0x43: {  	[tilespmem:s23], [sflag:$0xA] =	stream.strided.gather [hbm4b:s1+s5], $0x1400, s2, s5, $0x38;
	[tilespmem:$0x1E000] =	vst v63  }
0x44: {  	s8 =	simm.s32 $0x100;
	s6 =	rddreg [dreg:$0x1e]  }
0x45: {  	[tilespmem:s8], [sflag:$0x3] =	stream.linear.gather [hbm4b:s6+s4], $0x28, $0x38;
	[tilespmem:$0x1E000] =	vst v63  }
0x46: {  	s9 =	rddreg [dreg:$0x14]  }
0x47: {  	[tilespmem:s7], [sflag:$0xB] =	stream.strided.gather [hbm4b:s9+s5], $0x1400, s2, s5, $0x38;
	[tilespmem:$0x1E000] =	vst v63  }
0x48: {  	s10 =	rddreg [dreg:$0x15]  }
0x49: {  	[tilespmem:s28], [sflag:$0x4] =	stream.linear.gather [hbm4b:s10+s4], $0x28, $0x38;
	[tilespmem:$0x1E000] =	vst v63  }
0x4a: {  	s30 =	simm.s32 $0x1;
	s14 =	rddreg [dreg:$0x16]  }
0x4b: {  	[tilespmem:s0], [sflag:$0xC] =	stream.strided.gather [hbm4b:s14+s5], $0x1400, s2, s5, $0x38;
	[tilespmem:$0x1E000] =	vst v63  }
0x4c: {  	_ =	swait.ge [sflag:s30], $0x28  }
0x4d: {  	[sflag:s30] =	ssyncset.done $0x0  }
0x4e: {  	s31 =	simm.s32 $0x9;
	[sflag:s30] =	ssyncadd.s32 $0xFFFFFFD8  }
0x4f: {  	_ =	swait.ge [sflag:s31], $0x1400  }
0x50: {  	[sflag:s31] =	ssyncset.done $0x0  }
0x51: {  	[sflag:s31] =	ssyncadd.s32 $0xFFFFEC00  }
0x52: {  	[spmem:s3] =	stream.indirect.scatter.add.f32 [tilespmem:s5], [sflag:$0x11], $0x80, s4, s15, $0xb8;
	[tilespmem:$0x1E000] =	vst v63  }
0x53: {  	s9 =	simm.s32 $0x200;
	s16 =	rddreg [dreg:$0x1f]  }
0x54: {  	[tilespmem:s9], [sflag:$0x5] =	stream.linear.gather [hbm4b:s16+s4], $0x28, $0x38;
	[tilespmem:$0x1E000] =	vst v63  }
0x55: {  	s26 =	simm.s32 $0x5400;
	s8 =	simm.s32 $0x2;
	s17 =	rddreg [dreg:$0x17]  }
0x56: {  	[tilespmem:s26], [sflag:$0xD] =	stream.strided.gather [hbm4b:s17+s5], $0x1400, s2, s5, $0x38;
	[tilespmem:$0x1E000] =	vst v63  }
0x57: {  	_ =	swait.ge [sflag:s8], $0x28  }
0x58: {  	[sflag:s8] =	ssyncset.done $0x0  }
0x59: {  	s1 =	simm.s32 $0xA;
	[sflag:s8] =	ssyncadd.s32 $0xFFFFFFD8  }
0x5a: {  	_ =	swait.ge [sflag:s1], $0x1400  }
0x5b: {  	[sflag:s1] =	ssyncset.done $0x0  }
0x5c: {  	[sflag:s1] =	ssyncadd.s32 $0xFFFFEC00  }
0x5d: {  	[spmem:s3] =	stream.indirect.scatter.add.f32 [tilespmem:s23], [sflag:$0x12], $0x80, s19, s15, $0xb8;
	[tilespmem:$0x1E000] =	vst v63  }
0x5e: {  	s10 =	simm.s32 $0x280;
	s18 =	rddreg [dreg:$0x18]  }
0x5f: {  	[tilespmem:s10], [sflag:$0x6] =	stream.linear.gather [hbm4b:s18+s4], $0x28, $0x38;
	[tilespmem:$0x1E000] =	vst v63  }
0x60: {  	s16 =	simm.s32 $0x6800;
	s24 =	rddreg [dreg:$0x1b]  }
0x61: {  	[tilespmem:s16], [sflag:$0xE] =	stream.strided.gather [hbm4b:s24+s5], $0x1400, s2, s5, $0x38;
	[tilespmem:$0x1E000] =	vst v63  }
0x62: {  	_ =	swait.ge [sflag:s11], $0x28  }
0x63: {  	[sflag:s11] =	ssyncset.done $0x0  }
0x64: {  	[sflag:s11] =	ssyncadd.s32 $0xFFFFFFD8  }
0x65: {  	_ =	swait.ge [sflag:s12], $0x1400  }
0x66: {  	[sflag:s12] =	ssyncset.done $0x0  }
0x67: {  	s6 =	simm.s32 $0x100;
	s14 =	sld [smem:$0x7F7];
	[sflag:s12] =	ssyncadd.s32 $0xFFFFEC00  }
0x68: {  	[spmem:s3] =	stream.indirect.scatter.add.f32 [tilespmem:s7], [sflag:$0x13], $0x80, s6, s15, $0xb8;
	[tilespmem:$0x1E000] =	vst v63  }
0x69: {  	s17 =	simm.s32 $0x300  }
0x6a: {  	[tilespmem:s17], [sflag:$0x7] =	stream.linear.gather [hbm4b:s14+s4], $0x28, $0x38;
	[tilespmem:$0x1E000] =	vst v63  }
0x6b: {  	s24 =	simm.s32 $0x7C00;
	s18 =	rddreg [dreg:$0x1c]  }
0x6c: {  	[tilespmem:s24], [sflag:$0xF] =	stream.strided.gather [hbm4b:s18+s5], $0x1400, s2, s5, $0x38;
	[tilespmem:$0x1E000] =	vst v63  }
0x6d: {  	_ =	swait.ge [sflag:s20], $0x28  }
0x6e: {  	[sflag:s20] =	ssyncset.done $0x0  }
0x6f: {  	[sflag:s20] =	ssyncadd.s32 $0xFFFFFFD8  }
0x70: {  	_ =	swait.ge [sflag:s21], $0x1400  }
0x71: {  	[sflag:s21] =	ssyncset.done $0x0  }
0x72: {  	[sflag:s21] =	ssyncadd.s32 $0xFFFFEC00  }
0x73: {  	[spmem:s3] =	stream.indirect.scatter.add.f32 [tilespmem:s0], [sflag:$0x14], $0x80, s28, s15, $0xb8;
	[tilespmem:$0x1E000] =	vst v63  }
0x74: {  	s12 =	simm.s32 $0x380;
	s11 =	rddreg [dreg:$0x19]  }
0x75: {  	[tilespmem:s12], [sflag:$0x8] =	stream.linear.gather [hbm4b:s11+s4], $0x28, $0x38;
	[tilespmem:$0x1E000] =	vst v63  }
0x76: {  	s6 =	simm.s32 $0x9000;
	s18 =	simm.s32 $0x5;
	s14 =	rddreg [dreg:$0x1d]  }
0x77: {  	[tilespmem:s6], [sflag:$0x10] =	stream.strided.gather [hbm4b:s14+s5], $0x1400, s2, s5, $0x38;
	[tilespmem:$0x1E000] =	vst v63  }
0x78: {  	_ =	swait.ge [sflag:s18], $0x28  }
0x79: {  	[sflag:s18] =	ssyncset.done $0x0  }
0x7a: {  	s20 =	simm.s32 $0xD;
	[sflag:s18] =	ssyncadd.s32 $0xFFFFFFD8  }
0x7b: {  	_ =	swait.ge [sflag:s20], $0x1400  }
0x7c: {  	[sflag:s20] =	ssyncset.done $0x0  }
0x7d: {  	s21 =	simm.s32 $0x11;
	[sflag:s20] =	ssyncadd.s32 $0xFFFFEC00  }
0x7e: {  	_ =	swait.ge [sflag:s21], $0x1400  }
0x7f: {  	s12 =	rddreg [dreg:$0x5]  }
0x80: {  	[sflag:s21] =	ssyncset.done $0x0;
	s18 =	sld [smem:$0x7FD]  }
0x81: {  	[sflag:s21] =	ssyncadd.s32 $0xFFFFEC00;
	s13 =	sadd.s32 $0x0, s12  }
0x82: {  	[spmem:s3] =	stream.indirect.scatter.add.f32 [tilespmem:s26], [sflag:$0x15], $0x80, s9, s15, $0xb8;
	[tilespmem:$0x1E000] =	vst v63  }
0x83: {  	s14 =	sadd.s32 $0x4E48, s13;
	s29 =	sshrl.u32 s18, $0x3  }
0x84: {  	[tilespmem:s4], [sflag:$0x1] =	stream.linear.gather [hbm4b:s14+s4], $0x28, $0x38;
	[tilespmem:$0x1E000] =	vst v63  }
0x85: {  	s14 =	sadd.s32 s22, s29  }
0x86: {  	[tilespmem:s5], [sflag:$0x9] =	stream.strided.gather [hbm4b:s14+s5], $0x1400, s2, s5, $0x38;
	[tilespmem:$0x1E000] =	vst v63  }
0x87: {  	s14 =	simm.s32 $0x6  }
0x88: {  	_ =	swait.ge [sflag:s14], $0x28  }
0x89: {  	[sflag:s14] =	ssyncset.done $0x0  }
0x8a: {  	[sflag:s14] =	ssyncadd.s32 $0xFFFFFFD8;
	s14 =	simm.s32 $0xE  }
0x8b: {  	_ =	swait.ge [sflag:s14], $0x1400  }
0x8c: {  	[sflag:s14] =	ssyncset.done $0x0  }
0x8d: {  	[sflag:s14] =	ssyncadd.s32 $0xFFFFEC00;
	s14 =	simm.s32 $0x12  }
0x8e: {  	_ =	swait.ge [sflag:s14], $0x1400  }
0x8f: {  	[sflag:s14] =	ssyncset.done $0x0  }
0x90: {  	[sflag:s14] =	ssyncadd.s32 $0xFFFFEC00  }
0x91: {  	[spmem:s3] =	stream.indirect.scatter.add.f32 [tilespmem:s16], [sflag:$0x16], $0x80, s10, s15, $0xb8;
	[tilespmem:$0x1E000] =	vst v63  }
0x92: {  	s29 =	sadd.s32 $0x4E4D, s13;
	s14 =	rddreg [dreg:$0xc]  }
0x93: {  	[tilespmem:s19], [sflag:$0x2] =	stream.linear.gather [hbm4b:s29+s4], $0x28, $0x38;
	[tilespmem:$0x1E000] =	vst v63  }
0x94: {  	s14 =	sadd.s32 s22, s14  }
0x95: {  	[tilespmem:s23], [sflag:$0xA] =	stream.strided.gather [hbm4b:s14+s5], $0x1400, s2, s5, $0x38;
	[tilespmem:$0x1E000] =	vst v63  }
0x96: {  	s14 =	simm.s32 $0x7  }
0x97: {  	_ =	swait.ge [sflag:s14], $0x28  }
0x98: {  	[sflag:s14] =	ssyncset.done $0x0  }
0x99: {  	[sflag:s14] =	ssyncadd.s32 $0xFFFFFFD8;
	s14 =	simm.s32 $0xF  }
0x9a: {  	_ =	swait.ge [sflag:s14], $0x1400  }
0x9b: {  	[sflag:s14] =	ssyncset.done $0x0  }
0x9c: {  	[sflag:s14] =	ssyncadd.s32 $0xFFFFEC00;
	s14 =	simm.s32 $0x13  }
0x9d: {  	_ =	swait.ge [sflag:s14], $0x1400  }
0x9e: {  	[sflag:s14] =	ssyncset.done $0x0  }
0x9f: {  	s24 =	simm.s32 $0x7C00;
	[sflag:s14] =	ssyncadd.s32 $0xFFFFEC00  }
0xa0: {  	[spmem:s3] =	stream.indirect.scatter.add.f32 [tilespmem:s24], [sflag:$0x17], $0x80, s17, s15, $0xb8;
	[tilespmem:$0x1E000] =	vst v63  }
0xa1: {  	s29 =	sadd.s32 $0x4E52, s13;
	s14 =	rddreg [dreg:$0xb];
	s24 =	simm.s32 $0x100  }
0xa2: {  	[tilespmem:s24], [sflag:$0x3] =	stream.linear.gather [hbm4b:s29+s4], $0x28, $0x38;
	[tilespmem:$0x1E000] =	vst v63  }
0xa3: {  	s14 =	sadd.s32 s22, s14  }
0xa4: {  	[tilespmem:s7], [sflag:$0xB] =	stream.strided.gather [hbm4b:s14+s5], $0x1400, s2, s5, $0x38;
	[tilespmem:$0x1E000] =	vst v63  }
0xa5: {  	s14 =	simm.s32 $0x8  }
0xa6: {  	_ =	swait.ge [sflag:s14], $0x28  }
0xa7: {  	[sflag:s14] =	ssyncset.done $0x0  }
0xa8: {  	[sflag:s14] =	ssyncadd.s32 $0xFFFFFFD8;
	s14 =	simm.s32 $0x10  }
0xa9: {  	_ =	swait.ge [sflag:s14], $0x1400  }
0xaa: {  	[sflag:s14] =	ssyncset.done $0x0  }
0xab: {  	[sflag:s14] =	ssyncadd.s32 $0xFFFFEC00;
	s14 =	simm.s32 $0x14  }
0xac: {  	_ =	swait.ge [sflag:s14], $0x1400  }
0xad: {  	[sflag:s14] =	ssyncset.done $0x0  }
0xae: {  	s29 =	simm.s32 $0x380;
	[sflag:s14] =	ssyncadd.s32 $0xFFFFEC00  }
0xaf: {  	[spmem:s3] =	stream.indirect.scatter.add.f32 [tilespmem:s6], [sflag:$0x18], $0x80, s29, s15, $0xb8;
	[tilespmem:$0x1E000] =	vst v63  }
0xb0: {  	s14 =	rddreg [dreg:$0xa];
	s29 =	sadd.s32 $0x4E57, s13  }
0xb1: {  	[tilespmem:s28], [sflag:$0x4] =	stream.linear.gather [hbm4b:s29+s4], $0x28, $0x38;
	[tilespmem:$0x1E000] =	vst v63  }
0xb2: {  	s14 =	sadd.s32 s22, s14  }
0xb3: {  	[tilespmem:s0], [sflag:$0xC] =	stream.strided.gather [hbm4b:s14+s5], $0x1400, s2, s5, $0x38;
	[tilespmem:$0x1E000] =	vst v63  }
0xb4: {  	_ =	swait.ge [sflag:s30], $0x28  }
0xb5: {  	[sflag:s30] =	ssyncset.done $0x0  }
0xb6: {  	[sflag:s30] =	ssyncadd.s32 $0xFFFFFFD8  }
0xb7: {  	_ =	swait.ge [sflag:s31], $0x1400  }
0xb8: {  	[sflag:s31] =	ssyncset.done $0x0  }
0xb9: {  	s14 =	simm.s32 $0x15;
	[sflag:s31] =	ssyncadd.s32 $0xFFFFEC00  }
0xba: {  	_ =	swait.ge [sflag:s14], $0x1400  }
0xbb: {  	[sflag:s14] =	ssyncset.done $0x0  }
0xbc: {  	[sflag:s14] =	ssyncadd.s32 $0xFFFFEC00  }
0xbd: {  	[spmem:s3] =	stream.indirect.scatter.add.f32 [tilespmem:s5], [sflag:$0x11], $0x80, s4, s15, $0xb8;
	[tilespmem:$0x1E000] =	vst v63  }
0xbe: {  	s29 =	sadd.s32 $0x4E5C, s13;
	s6 =	rddreg [dreg:$0x9]  }
0xbf: {  	[tilespmem:s9], [sflag:$0x5] =	stream.linear.gather [hbm4b:s29+s4], $0x28, $0x38;
	[tilespmem:$0x1E000] =	vst v63  }
0xc0: {  	s14 =	sadd.s32 s22, s6  }
0xc1: {  	[tilespmem:s26], [sflag:$0xD] =	stream.strided.gather [hbm4b:s14+s5], $0x1400, s2, s5, $0x38;
	[tilespmem:$0x1E000] =	vst v63  }
0xc2: {  	_ =	swait.ge [sflag:s8], $0x28  }
0xc3: {  	[sflag:s8] =	ssyncset.done $0x0  }
0xc4: {  	[sflag:s8] =	ssyncadd.s32 $0xFFFFFFD8  }
0xc5: {  	_ =	swait.ge [sflag:s1], $0x1400  }
0xc6: {  	[sflag:s1] =	ssyncset.done $0x0  }
0xc7: {  	s8 =	simm.s32 $0x16;
	[sflag:s1] =	ssyncadd.s32 $0xFFFFEC00  }
0xc8: {  	_ =	swait.ge [sflag:s8], $0x1400  }
0xc9: {  	[sflag:s8] =	ssyncset.done $0x0  }
0xca: {  	[sflag:s8] =	ssyncadd.s32 $0xFFFFEC00  }
0xcb: {  	[spmem:s3] =	stream.indirect.scatter.add.f32 [tilespmem:s23], [sflag:$0x12], $0x80, s19, s15, $0xb8;
	[tilespmem:$0x1E000] =	vst v63  }
0xcc: {  	s29 =	sadd.s32 $0x4E61, s13;
	s9 =	rddreg [dreg:$0x8]  }
0xcd: {  	[tilespmem:s10], [sflag:$0x6] =	stream.linear.gather [hbm4b:s29+s4], $0x28, $0x38;
	[tilespmem:$0x1E000] =	vst v63  }
0xce: {  	s11 =	simm.s32 $0x3;
	s14 =	sadd.s32 s22, s9  }
0xcf: {  	[tilespmem:s16], [sflag:$0xE] =	stream.strided.gather [hbm4b:s14+s5], $0x1400, s2, s5, $0x38;
	[tilespmem:$0x1E000] =	vst v63  }
0xd0: {  	_ =	swait.ge [sflag:s11], $0x28  }
0xd1: {  	[sflag:s11] =	ssyncset.done $0x0  }
0xd2: {  	s12 =	simm.s32 $0xB;
	[sflag:s11] =	ssyncadd.s32 $0xFFFFFFD8  }
0xd3: {  	_ =	swait.ge [sflag:s12], $0x1400  }
0xd4: {  	[sflag:s12] =	ssyncset.done $0x0  }
0xd5: {  	s19 =	simm.s32 $0x17;
	[sflag:s12] =	ssyncadd.s32 $0xFFFFEC00  }
0xd6: {  	_ =	swait.ge [sflag:s19], $0x1400  }
0xd7: {  	[sflag:s19] =	ssyncset.done $0x0  }
0xd8: {  	s24 =	simm.s32 $0x100;
	[sflag:s19] =	ssyncadd.s32 $0xFFFFEC00  }
0xd9: {  	[spmem:s3] =	stream.indirect.scatter.add.f32 [tilespmem:s7], [sflag:$0x13], $0x80, s24, s15, $0xb8;
	[tilespmem:$0x1E000] =	vst v63  }
0xda: {  	s29 =	sadd.s32 $0x4E66, s13;
	s23 =	rddreg [dreg:$0x7]  }
0xdb: {  	[tilespmem:s17], [sflag:$0x7] =	stream.linear.gather [hbm4b:s29+s4], $0x28, $0x38;
	[tilespmem:$0x1E000] =	vst v63  }
0xdc: {  	s20 =	simm.s32 $0x4;
	s14 =	sadd.s32 s22, s23;
	s24 =	simm.s32 $0x7C00  }
0xdd: {  	[tilespmem:s24], [sflag:$0xF] =	stream.strided.gather [hbm4b:s14+s5], $0x1400, s2, s5, $0x38;
	[tilespmem:$0x1E000] =	vst v63  }
0xde: {  	_ =	swait.ge [sflag:s20], $0x28  }
0xdf: {  	[sflag:s20] =	ssyncset.done $0x0  }
0xe0: {  	s21 =	simm.s32 $0xC;
	[sflag:s20] =	ssyncadd.s32 $0xFFFFFFD8  }
0xe1: {  	_ =	swait.ge [sflag:s21], $0x1400  }
0xe2: {  	[sflag:s21] =	ssyncset.done $0x0  }
0xe3: {  	[sflag:s21] =	ssyncadd.s32 $0xFFFFEC00  }
0xe4: {  	_ =	swait.ge [sflag:s25], $0x1400  }
0xe5: {  	s30 =	smov.u32 s22;
	s31 =	simm.s32 $0x180;
	[sflag:s25] =	ssyncset.done $0x0  }
0xe6: {  	s13 =	sadd.s32 $0x4E6B, s13;
	s7 =	simm.s32 $0x2C00;
	[sflag:s25] =	ssyncadd.s32 $0xFFFFEC00  }
0xe7: {  	[spmem:s3] =	stream.indirect.scatter.add.f32 [tilespmem:s0], [sflag:$0x14], $0x80, s28, s15, $0xb8;
	[tilespmem:$0x1E000] =	vst v63  }
0xe8: {  	s29 =	simm.s32 $0x28;
	s26 =	rddreg [dreg:$0x6];
	s28 =	simm.s32 $0x380  }
0xe9: {  	[tilespmem:s28], [sflag:$0x8] =	stream.linear.gather [hbm4b:s13+s4], $0x28, $0x38;
	[tilespmem:$0x1E000] =	vst v63  }
0xea: {  	s14 =	sadd.s32 s22, s26;
	s0 =	simm.s32 $0x4000;
	s13 =	smov.u32 s18  }
.LBB2_2:
0xeb: {  	s6 =	simm.s32 $0x9000;
	s1 =	simm.s32 $0x5  }
0xec: {  	[tilespmem:s6], [sflag:$0x10] =	stream.strided.gather [hbm4b:s14+s5], $0x1400, s2, s5, $0x38;
	[tilespmem:$0x1E000] =	vst v63  }
0xed: {  	_ =	swait.ge [sflag:s1], $0x28  }
0xee: {  	[sflag:s1] =	ssyncset.done $0x0  }
0xef: {  	s23 =	simm.s32 $0xD;
	[sflag:s1] =	ssyncadd.s32 $0xFFFFFFD8  }
0xf0: {  	_ =	swait.ge [sflag:s23], $0x1400  }
0xf1: {  	[sflag:s23] =	ssyncset.done $0x0  }
0xf2: {  	s24 =	simm.s32 $0x11;
	[sflag:s23] =	ssyncadd.s32 $0xFFFFEC00  }
0xf3: {  	s13 =	sadd.s32 $0x14000, s13;
	s19 =	smov.u32 s29;
	_ =	swait.ge [sflag:s24], $0x1400  }
0xf4: {  	s8 =	simm.s32 $0x5400;
	[sflag:s24] =	ssyncset.done $0x0;
	s18 =	rddreg [dreg:$0x5]  }
0xf5: {  	s1 =	simm.s32 $0x200;
	[sflag:s24] =	ssyncadd.s32 $0xFFFFEC00;
	s14 =	sadd.s32 s19, s18  }
0xf6: {  	[spmem:s3] =	stream.indirect.scatter.add.f32 [tilespmem:s8], [sflag:$0x15], $0x80, s1, s15, $0xb8;
	[tilespmem:$0x1E000] =	vst v63  }
0xf7: {  	s19 =	sshrl.u32 s13, $0x3;
	s18 =	sadd.s32 $0x4E48, s14  }
0xf8: {  	[tilespmem:s4], [sflag:$0x1] =	stream.linear.gather [hbm4b:s18+s4], $0x28, $0x38;
	[tilespmem:$0x1E000] =	vst v63  }
0xf9: {  	s9 =	simm.s32 $0x6;
	s26 =	sadd.s32 s22, s19  }
0xfa: {  	[tilespmem:s5], [sflag:$0x9] =	stream.strided.gather [hbm4b:s26+s5], $0x1400, s2, s5, $0x38;
	[tilespmem:$0x1E000] =	vst v63  }
0xfb: {  	_ =	swait.ge [sflag:s9], $0x28  }
0xfc: {  	[sflag:s9] =	ssyncset.done $0x0  }
0xfd: {  	s28 =	simm.s32 $0xE;
	[sflag:s9] =	ssyncadd.s32 $0xFFFFFFD8  }
0xfe: {  	_ =	swait.ge [sflag:s28], $0x1400  }
0xff: {  	[sflag:s28] =	ssyncset.done $0x0  }
0x100: {  	s10 =	simm.s32 $0x12;
	[sflag:s28] =	ssyncadd.s32 $0xFFFFEC00  }
0x101: {  	_ =	swait.ge [sflag:s10], $0x1400  }
0x102: {  	s30 =	sadd.s32 $0x2800, s30;
	[sflag:s10] =	ssyncset.done $0x0  }
0x103: {  	s9 =	simm.s32 $0x280;
	[sflag:s10] =	ssyncadd.s32 $0xFFFFEC00;
	s10 =	simm.s32 $0x6800  }
0x104: {  	[spmem:s3] =	stream.indirect.scatter.add.f32 [tilespmem:s10], [sflag:$0x16], $0x80, s9, s15, $0xb8;
	[tilespmem:$0x1E000] =	vst v63  }
0x105: {  	s23 =	simm.s32 $0x80;
	s17 =	sadd.s32 $0x4E4D, s14;
	s16 =	rddreg [dreg:$0xc]  }
0x106: {  	[tilespmem:s23], [sflag:$0x2] =	stream.linear.gather [hbm4b:s17+s4], $0x28, $0x38;
	[tilespmem:$0x1E000] =	vst v63  }
0x107: {  	s26 =	simm.s32 $0x1800;
	s18 =	sadd.s32 s30, s16;
	s16 =	simm.s32 $0x7  }
0x108: {  	[tilespmem:s26], [sflag:$0xA] =	stream.strided.gather [hbm4b:s18+s5], $0x1400, s2, s5, $0x38;
	[tilespmem:$0x1E000] =	vst v63  }
0x109: {  	_ =	swait.ge [sflag:s16], $0x28  }
0x10a: {  	[sflag:s16] =	ssyncset.done $0x0  }
0x10b: {  	s18 =	simm.s32 $0xF;
	[sflag:s16] =	ssyncadd.s32 $0xFFFFFFD8  }
0x10c: {  	_ =	swait.ge [sflag:s18], $0x1400  }
0x10d: {  	[sflag:s18] =	ssyncset.done $0x0  }
0x10e: {  	s19 =	simm.s32 $0x13;
	[sflag:s18] =	ssyncadd.s32 $0xFFFFEC00  }
0x10f: {  	_ =	swait.ge [sflag:s19], $0x1400  }
0x110: {  	[sflag:s19] =	ssyncset.done $0x0  }
0x111: {  	s17 =	simm.s32 $0x7C00;
	s16 =	simm.s32 $0x300;
	[sflag:s19] =	ssyncadd.s32 $0xFFFFEC00  }
0x112: {  	[spmem:s3] =	stream.indirect.scatter.add.f32 [tilespmem:s17], [sflag:$0x17], $0x80, s16, s15, $0xb8;
	[tilespmem:$0x1E000] =	vst v63  }
0x113: {  	s24 =	sadd.s32 $0x4E52, s14;
	s28 =	simm.s32 $0x100;
	s18 =	rddreg [dreg:$0xb]  }
0x114: {  	[tilespmem:s28], [sflag:$0x3] =	stream.linear.gather [hbm4b:s24+s4], $0x28, $0x38;
	[tilespmem:$0x1E000] =	vst v63  }
0x115: {  	s18 =	sadd.s32 s30, s18;
	s24 =	simm.s32 $0x8  }
0x116: {  	[tilespmem:s7], [sflag:$0xB] =	stream.strided.gather [hbm4b:s18+s5], $0x1400, s2, s5, $0x38;
	[tilespmem:$0x1E000] =	vst v63  }
0x117: {  	_ =	swait.ge [sflag:s24], $0x28  }
0x118: {  	[sflag:s24] =	ssyncset.done $0x0  }
0x119: {  	s19 =	simm.s32 $0x10;
	[sflag:s24] =	ssyncadd.s32 $0xFFFFFFD8  }
0x11a: {  	_ =	swait.ge [sflag:s19], $0x1400  }
0x11b: {  	[sflag:s19] =	ssyncset.done $0x0  }
0x11c: {  	s24 =	simm.s32 $0x14;
	[sflag:s19] =	ssyncadd.s32 $0xFFFFEC00  }
0x11d: {  	_ =	swait.ge [sflag:s24], $0x1400  }
0x11e: {  	[sflag:s24] =	ssyncset.done $0x0  }
0x11f: {  	[sflag:s24] =	ssyncadd.s32 $0xFFFFEC00;
	s24 =	simm.s32 $0x380  }
0x120: {  	[spmem:s3] =	stream.indirect.scatter.add.f32 [tilespmem:s6], [sflag:$0x18], $0x80, s24, s15, $0xb8;
	[tilespmem:$0x1E000] =	vst v63  }
0x121: {  	s18 =	rddreg [dreg:$0xa];
	s6 =	sadd.s32 $0x4E57, s14  }
0x122: {  	[tilespmem:s31], [sflag:$0x4] =	stream.linear.gather [hbm4b:s6+s4], $0x28, $0x38;
	[tilespmem:$0x1E000] =	vst v63  }
0x123: {  	s19 =	simm.s32 $0x1;
	s18 =	sadd.s32 s30, s18  }
0x124: {  	[tilespmem:s0], [sflag:$0xC] =	stream.strided.gather [hbm4b:s18+s5], $0x1400, s2, s5, $0x38;
	[tilespmem:$0x1E000] =	vst v63  }
0x125: {  	_ =	swait.ge [sflag:s19], $0x28  }
0x126: {  	[sflag:s19] =	ssyncset.done $0x0  }
0x127: {  	s6 =	simm.s32 $0x9;
	[sflag:s19] =	ssyncadd.s32 $0xFFFFFFD8  }
0x128: {  	_ =	swait.ge [sflag:s6], $0x1400  }
0x129: {  	[sflag:s6] =	ssyncset.done $0x0  }
0x12a: {  	s18 =	simm.s32 $0x15;
	[sflag:s6] =	ssyncadd.s32 $0xFFFFEC00  }
0x12b: {  	_ =	swait.ge [sflag:s18], $0x1400  }
0x12c: {  	[sflag:s18] =	ssyncset.done $0x0  }
0x12d: {  	[sflag:s18] =	ssyncadd.s32 $0xFFFFEC00  }
0x12e: {  	[spmem:s3] =	stream.indirect.scatter.add.f32 [tilespmem:s5], [sflag:$0x11], $0x80, s4, s15, $0xb8;
	[tilespmem:$0x1E000] =	vst v63  }
0x12f: {  	s19 =	sadd.s32 $0x4E5C, s14;
	s18 =	rddreg [dreg:$0x9]  }
0x130: {  	[tilespmem:s1], [sflag:$0x5] =	stream.linear.gather [hbm4b:s19+s4], $0x28, $0x38;
	[tilespmem:$0x1E000] =	vst v63  }
0x131: {  	s18 =	sadd.s32 s30, s18;
	s19 =	simm.s32 $0x2  }
0x132: {  	[tilespmem:s8], [sflag:$0xD] =	stream.strided.gather [hbm4b:s18+s5], $0x1400, s2, s5, $0x38;
	[tilespmem:$0x1E000] =	vst v63  }
0x133: {  	_ =	swait.ge [sflag:s19], $0x28  }
0x134: {  	[sflag:s19] =	ssyncset.done $0x0  }
0x135: {  	s18 =	simm.s32 $0xA;
	[sflag:s19] =	ssyncadd.s32 $0xFFFFFFD8  }
0x136: {  	_ =	swait.ge [sflag:s18], $0x1400  }
0x137: {  	[sflag:s18] =	ssyncset.done $0x0  }
0x138: {  	s19 =	simm.s32 $0x16;
	[sflag:s18] =	ssyncadd.s32 $0xFFFFEC00  }
0x139: {  	_ =	swait.ge [sflag:s19], $0x1400  }
0x13a: {  	[sflag:s19] =	ssyncset.done $0x0  }
0x13b: {  	[sflag:s19] =	ssyncadd.s32 $0xFFFFEC00  }
0x13c: {  	[spmem:s3] =	stream.indirect.scatter.add.f32 [tilespmem:s26], [sflag:$0x12], $0x80, s23, s15, $0xb8;
	[tilespmem:$0x1E000] =	vst v63  }
0x13d: {  	s18 =	rddreg [dreg:$0x8];
	s26 =	sadd.s32 $0x4E61, s14  }
0x13e: {  	[tilespmem:s9], [sflag:$0x6] =	stream.linear.gather [hbm4b:s26+s4], $0x28, $0x38;
	[tilespmem:$0x1E000] =	vst v63  }
0x13f: {  	s18 =	sadd.s32 s30, s18  }
0x140: {  	[tilespmem:s10], [sflag:$0xE] =	stream.strided.gather [hbm4b:s18+s5], $0x1400, s2, s5, $0x38;
	[tilespmem:$0x1E000] =	vst v63  }
0x141: {  	_ =	swait.ge [sflag:s11], $0x28  }
0x142: {  	[sflag:s11] =	ssyncset.done $0x0  }
0x143: {  	[sflag:s11] =	ssyncadd.s32 $0xFFFFFFD8  }
0x144: {  	_ =	swait.ge [sflag:s12], $0x1400  }
0x145: {  	[sflag:s12] =	ssyncset.done $0x0  }
0x146: {  	s23 =	simm.s32 $0x17;
	[sflag:s12] =	ssyncadd.s32 $0xFFFFEC00  }
0x147: {  	_ =	swait.ge [sflag:s23], $0x1400  }
0x148: {  	[sflag:s23] =	ssyncset.done $0x0  }
0x149: {  	[sflag:s23] =	ssyncadd.s32 $0xFFFFEC00  }
0x14a: {  	[spmem:s3] =	stream.indirect.scatter.add.f32 [tilespmem:s7], [sflag:$0x13], $0x80, s28, s15, $0xb8;
	[tilespmem:$0x1E000] =	vst v63  }
0x14b: {  	s26 =	rddreg [dreg:$0x7];
	s28 =	sadd.s32 $0x4E66, s14  }
0x14c: {  	[tilespmem:s16], [sflag:$0x7] =	stream.linear.gather [hbm4b:s28+s4], $0x28, $0x38;
	[tilespmem:$0x1E000] =	vst v63  }
0x14d: {  	s18 =	sadd.s32 s30, s26  }
0x14e: {  	[tilespmem:s17], [sflag:$0xF] =	stream.strided.gather [hbm4b:s18+s5], $0x1400, s2, s5, $0x38;
	[tilespmem:$0x1E000] =	vst v63  }
0x14f: {  	_ =	swait.ge [sflag:s20], $0x28  }
0x150: {  	[sflag:s20] =	ssyncset.done $0x0  }
0x151: {  	[sflag:s20] =	ssyncadd.s32 $0xFFFFFFD8  }
0x152: {  	p0 =	sne.s32 s29, $0x488;
	_ =	swait.ge [sflag:s21], $0x1400  }
0x153: {  	s29 =	sadd.s32 $0x28, s29;
	s6 =	simm.s32 $0x200;
	[sflag:s21] =	ssyncset.done $0x0  }
0x154: {  	s1 =	simm.s32 $0x5400;
	s8 =	simm.s32 $0x280;
	[sflag:s21] =	ssyncadd.s32 $0xFFFFEC00  }
0x155: {  	s9 =	simm.s32 $0x6800;
	s10 =	simm.s32 $0x300;
	_ =	swait.ge [sflag:s25], $0x1400  }
.Ltmp0:
0x156: {  	s23 =	simm.s32 $0x100;
	[sflag:s25] =	ssyncset.done $0x0;
	(pc) =	sbr.rel @p0 .LBB2_2-.Ltmp0, $4  }
0x157: {  	s16 =	simm.s32 $0x7C00;
	s26 =	rddreg [dreg:$0x6];
	[sflag:s25] =	ssyncadd.s32 $0xFFFFEC00  }
0x158: {  	[spmem:s3] =	stream.indirect.scatter.add.f32 [tilespmem:s0], [sflag:$0x14], $0x80, s31, s15, $0xb8;
	[tilespmem:$0x1E000] =	vst v63  }
0x159: {  	s28 =	sadd.s32 $0x4E6B, s14;
	s17 =	simm.s32 $0x380;
	s14 =	sadd.s32 s30, s26  }
0x15a: {  	[tilespmem:s24], [sflag:$0x8] =	stream.linear.gather [hbm4b:s28+s4], $0x28, $0x38;
	[tilespmem:$0x1E000] =	vst v63  }
0x15b: {  	s0 =	simm.s32 $0x9000;
	s7 =	simm.s32 $0x5  }
0x15c: {  	[tilespmem:s0], [sflag:$0x10] =	stream.strided.gather [hbm4b:s14+s5], $0x1400, s2, s5, $0x38;
	[tilespmem:$0x1E000] =	vst v63  }
0x15d: {  	_ =	swait.ge [sflag:s7], $0x28  }
0x15e: {  	[sflag:s7] =	ssyncset.done $0x0  }
0x15f: {  	s19 =	simm.s32 $0xD;
	[sflag:s7] =	ssyncadd.s32 $0xFFFFFFD8  }
0x160: {  	_ =	swait.ge [sflag:s19], $0x1400  }
0x161: {  	[sflag:s19] =	ssyncset.done $0x0  }
0x162: {  	s7 =	simm.s32 $0x11;
	[sflag:s19] =	ssyncadd.s32 $0xFFFFEC00  }
0x163: {  	_ =	swait.ge [sflag:s7], $0x1400  }
0x164: {  	[sflag:s7] =	ssyncset.done $0x0  }
0x165: {  	s13 =	sld [smem:$0x7F8];
	[sflag:s7] =	ssyncadd.s32 $0xFFFFEC00  }
0x166: {  	[spmem:s3] =	stream.indirect.scatter.add.f32 [tilespmem:s1], [sflag:$0x15], $0x80, s6, s15, $0xb8;
	[tilespmem:$0x1E000] =	vst v63  }
0x167: {  	s20 =	sld [smem:$0x7F9]  }
0x168: {  	[tilespmem:s4], [sflag:$0x1] =	stream.linear.gather [hbm4b:s13+s4], $0x28, $0x38;
	[tilespmem:$0x1E000] =	vst v63  }
0x169: {  	s21 =	simm.s32 $0x6  }
0x16a: {  	[tilespmem:s5], [sflag:$0x9] =	stream.strided.gather [hbm4b:s20+s5], $0x1400, s2, s5, $0x38;
	[tilespmem:$0x1E000] =	vst v63  }
0x16b: {  	_ =	swait.ge [sflag:s21], $0x28  }
0x16c: {  	[sflag:s21] =	ssyncset.done $0x0  }
0x16d: {  	s24 =	simm.s32 $0xE;
	[sflag:s21] =	ssyncadd.s32 $0xFFFFFFD8  }
0x16e: {  	_ =	swait.ge [sflag:s24], $0x1400  }
0x16f: {  	[sflag:s24] =	ssyncset.done $0x0  }
0x170: {  	s1 =	simm.s32 $0x12;
	[sflag:s24] =	ssyncadd.s32 $0xFFFFEC00  }
0x171: {  	_ =	swait.ge [sflag:s1], $0x1400  }
0x172: {  	[sflag:s1] =	ssyncset.done $0x0  }
0x173: {  	s26 =	rddreg [dreg:$0x1a];
	[sflag:s1] =	ssyncadd.s32 $0xFFFFEC00  }
0x174: {  	[spmem:s3] =	stream.indirect.scatter.add.f32 [tilespmem:s9], [sflag:$0x16], $0x80, s8, s15, $0xb8;
	[tilespmem:$0x1E000] =	vst v63  }
0x175: {  	s18 =	simm.s32 $0x80;
	s29 =	sld [smem:$0x7FA]  }
0x176: {  	[tilespmem:s18], [sflag:$0x2] =	stream.linear.gather [hbm4b:s26+s4], $0x28, $0x38;
	[tilespmem:$0x1E000] =	vst v63  }
0x177: {  	s30 =	simm.s32 $0x1800;
	s31 =	simm.s32 $0x7  }
0x178: {  	[tilespmem:s30], [sflag:$0xA] =	stream.strided.gather [hbm4b:s29+s5], $0x1400, s2, s5, $0x38;
	[tilespmem:$0x1E000] =	vst v63  }
0x179: {  	_ =	swait.ge [sflag:s31], $0x28  }
0x17a: {  	[sflag:s31] =	ssyncset.done $0x0  }
0x17b: {  	s8 =	simm.s32 $0xF;
	[sflag:s31] =	ssyncadd.s32 $0xFFFFFFD8  }
0x17c: {  	_ =	swait.ge [sflag:s8], $0x1400  }
0x17d: {  	[sflag:s8] =	ssyncset.done $0x0  }
0x17e: {  	s9 =	simm.s32 $0x13;
	[sflag:s8] =	ssyncadd.s32 $0xFFFFEC00  }
0x17f: {  	_ =	swait.ge [sflag:s9], $0x1400  }
0x180: {  	[sflag:s9] =	ssyncset.done $0x0  }
0x181: {  	[sflag:s9] =	ssyncadd.s32 $0xFFFFEC00  }
0x182: {  	[spmem:s3] =	stream.indirect.scatter.add.f32 [tilespmem:s16], [sflag:$0x17], $0x80, s10, s15, $0xb8;
	[tilespmem:$0x1E000] =	vst v63  }
0x183: {  	s10 =	simm.s32 $0x8  }
0x184: {  	_ =	swait.ge [sflag:s10], $0x28  }
0x185: {  	[sflag:s10] =	ssyncset.done $0x0  }
0x186: {  	s11 =	simm.s32 $0x10;
	[sflag:s10] =	ssyncadd.s32 $0xFFFFFFD8  }
0x187: {  	_ =	swait.ge [sflag:s11], $0x1400  }
0x188: {  	[sflag:s11] =	ssyncset.done $0x0  }
0x189: {  	s12 =	simm.s32 $0x14;
	[sflag:s11] =	ssyncadd.s32 $0xFFFFEC00  }
0x18a: {  	_ =	swait.ge [sflag:s12], $0x1400  }
0x18b: {  	[sflag:s12] =	ssyncset.done $0x0  }
0x18c: {  	s13 =	simm.s32 $0x1;
	[sflag:s12] =	ssyncadd.s32 $0xFFFFEC00  }
0x18d: {  	[spmem:s3] =	stream.indirect.scatter.add.f32 [tilespmem:s0], [sflag:$0x18], $0x80, s17, s15, $0xb8;
	[tilespmem:$0x1E000] =	vst v63  }
0x18e: {  	_ =	swait.ge [sflag:s13], $0x28  }
0x18f: {  	[sflag:s13] =	ssyncset.done $0x0  }
0x190: {  	s16 =	simm.s32 $0x9;
	[sflag:s13] =	ssyncadd.s32 $0xFFFFFFD8  }
0x191: {  	_ =	swait.ge [sflag:s16], $0x1400  }
0x192: {  	[sflag:s16] =	ssyncset.done $0x0  }
0x193: {  	s17 =	simm.s32 $0x15;
	[sflag:s16] =	ssyncadd.s32 $0xFFFFEC00  }
0x194: {  	_ =	swait.ge [sflag:s17], $0x1400  }
0x195: {  	[sflag:s17] =	ssyncset.done $0x0  }
0x196: {  	s19 =	simm.s32 $0x2;
	[sflag:s17] =	ssyncadd.s32 $0xFFFFEC00  }
0x197: {  	[spmem:s3] =	stream.indirect.scatter.add.f32 [tilespmem:s5], [sflag:$0x11], $0x80, s4, s15, $0xb8;
	[tilespmem:$0x1E000] =	vst v63  }
0x198: {  	_ =	swait.ge [sflag:s19], $0x28  }
0x199: {  	[sflag:s19] =	ssyncset.done $0x0  }
0x19a: {  	s20 =	simm.s32 $0xA;
	[sflag:s19] =	ssyncadd.s32 $0xFFFFFFD8  }
0x19b: {  	_ =	swait.ge [sflag:s20], $0x1400  }
0x19c: {  	[sflag:s20] =	ssyncset.done $0x0  }
0x19d: {  	s21 =	simm.s32 $0x16;
	[sflag:s20] =	ssyncadd.s32 $0xFFFFEC00  }
0x19e: {  	_ =	swait.ge [sflag:s21], $0x1400  }
0x19f: {  	[sflag:s21] =	ssyncset.done $0x0  }
0x1a0: {  	s24 =	simm.s32 $0x17;
	[sflag:s21] =	ssyncadd.s32 $0xFFFFEC00  }
0x1a1: {  	[spmem:s3] =	stream.indirect.scatter.add.f32 [tilespmem:s30], [sflag:$0x12], $0x80, s18, s15, $0xb8;
	[tilespmem:$0x1E000] =	vst v63  }
0x1a2: {  	_ =	swait.ge [sflag:s24], $0x1400  }
0x1a3: {  	[sflag:s24] =	ssyncset.done $0x0  }
0x1a4: {  	[sflag:s24] =	ssyncadd.s32 $0xFFFFEC00  }
0x1a5: {  	_ =	swait.ge [sflag:s25], $0x1400  }
0x1a6: {  	[sflag:s25] =	ssyncset.done $0x0  }
0x1a7: {  	[sflag:s25] =	ssyncadd.s32 $0xFFFFEC00  }
0x1a8: {  	_ =	swait.ge [sflag:s7], $0x1400  }
0x1a9: {  	[sflag:s7] =	ssyncset.done $0x0  }
0x1aa: {  	[sflag:s7] =	ssyncadd.s32 $0xFFFFEC00  }
0x1ab: {  	_ =	swait.ge [sflag:s1], $0x1400  }
0x1ac: {  	[sflag:s1] =	ssyncset.done $0x0  }
0x1ad: {  	[sflag:s1] =	ssyncadd.s32 $0xFFFFEC00  }
0x1ae: {  	[bflag:$0x0] =	sbarrier.arrive $0xFFFF  }
0x1af: {  	s26 =	sld [smem:$0x7FB]  }
0x1b0: {  	s29 =	sld [smem:$0x7F6];
	_ =	sdelay $0x1  }
0x1b1: {  	s14 =	rddreg [dreg:$0xf]  }
0x1b2: {  	[hbm:s26@s23], [sflag:s14] =	dma.strided [spmem:s29@s18], $0x2780, s10, $0x10   }
0x1b3: {  	s18 =	simm.s32 $0x19  }
0x1b4: {  	_ =	swait.ge [sflag:s18], $0x2780  }
0x1b5: {  	s30 =	sld [smem:$0x7F5]  }
0x1b6: {  	s31 =	sld [smem:$0x7FC];
	_ =	sdelay $0x1  }
0x1b7: {  	s1 =	sadd.s32 $0x1, s30  }
0x1b8: {  	p0 =	sne.s32 s1, s31  }
.Ltmp1:
0x1b9: {  	_ = 	snop;
	(pc) =	sbr.rel @p0 .LBB2_1-.Ltmp1, $4  }
0x1ba: {  	_ = 	snop  }
0x1bb: {  	s28 =	simm.s32 $0x180;
	s11 =	simm.s32 $0x3;
	s12 =	simm.s32 $0xB  }
0x1bc: {  	s0 =	simm.s32 $0x4000;
	s20 =	simm.s32 $0x4;
	[sflag:s18] =	ssyncset.done $0x0  }
0x1bd: {  	s21 =	simm.s32 $0xC;
	s7 =	simm.s32 $0x2C00;
	[sflag:s18] =	ssyncadd.s32 $0xFFFFD880  }
0x1be: {  	_ =	sfence.sel $0x180000  }
0x1bf: {  	[bflag:$0x0] =	sbarrier.arrive $0xFFFF  }
0x1c0: {  	_ =	strace $0x90000047  }
0x1c1: {  	s0 =	stileid.u32;
	[bflag:$0x2] =	sbarrier.arrive $0xFFFF  }
0x1c2: {  	p0 =	sne.s32 s0, $0x0;
	s0 =	rddreg [dreg:$0x4]  }
0x1c3: {  	s0 =	sadd.s32 @!p0 $0x100000, s0  }
0x1c4: {  	[sflag:s0] =	ssyncadd.tile.s32 @!p0 $0x1;
	_ =	shalt  }
.Lfunc_end2:
_tile_overlayer_lowered:
.L_overlay_start_2:
0x1c5: {  	(tag) =	ssettag $0x2  }
0x1c6: {  	s0 =	rddreg [dreg:$0x0];
	s2 =	stileid.u32  }
0x1c7: {  	s1 =	rddreg [dreg:$0x1];
	p0 =	sne.s32 s2, $0x0  }
0x1c8: {  	s3 =	rddreg [dreg:$0x2];
	[bflag:$0x3] =	sbarrier.arrive $0xFFFF;
	s2 =	simm.s32 @!p0 $0x1C19  }
0x1c9: {  	[timem:s3], [sflag:s2] =	dma.local @!p0 [hbm:s0], s1  }
0x1ca: {  	s0 =	simm.s32 @!p0 $0x19  }
0x1cb: {  	_ =	swait.ge @!p0 [sflag:s0], s1  }
0x1cc: {  	s1 =	ssub.s32 @!p0 $0x0, s1;
	[sflag:s0] =	ssyncset.done @!p0 $0x0  }
0x1cd: {  	[sflag:s0] =	ssyncadd.s32 @!p0 s1  }
0x1ce: {  	[bflag:$0x3] =	sbarrier.arrive $0xFFFF  }
0x1cf: {  	_ =	shalt  }

</sc_bundles>
